<compile_context>
chip_gen: v7x
topology: tpu7x:2x2x1
jax: 0.10.2.dev20260603
libtpu: 0.0.44.dev20260713+nightly
codegen_flags: <defaults>
</compile_context>

<pallas_src>
import functools

import jax
import jax.numpy as jnp
from jax import lax
from jax.experimental import pallas as pl
from jax.experimental.pallas import tpu as pltpu
from jax.experimental.pallas import tpu_sc as plsc

N_ROWS = 320000
D = 128
N_SEG = 1024
NC = 2
NS = 16
NW = NC * NS
GROUP = 128
N_GROUPS = N_ROWS // GROUP
SC_GROUPS_PER_W = 72
SC_GROUPS = SC_GROUPS_PER_W * NW
SC_ROWS = SC_GROUPS * GROUP
TC_ROWS = N_ROWS - SC_ROWS
TC_BLK = 512
TC_NBLK = TC_ROWS // TC_BLK
HGROUPS_PER_W = N_GROUPS // NW
N_EXTRA = N_GROUPS - HGROUPS_PER_W * NW
IDX_PAD_ROWS = 2504
IDX_WIN = 88
SEG_PER_TILE = N_SEG // NS
HROWS = N_SEG // 8
HSEG_PER_TILE = HROWS // NS
N_QUAD = SC_GROUPS_PER_W // 4 - 1


def _sc_body(x_hbm, b_hbm, sums_hbm, cnts_hbm,
             acc, cntsq, xbuf0, xbuf1, xbuf2, xbuf3, idxs, idxh, hist,
             idbuf, fzero, gsem0, gsem1, gsem2, gsem3,
             ssem0, ssem1, ssem2, ssem3):
    c = lax.axis_index("c")
    s = lax.axis_index("s")
    wid = c * NS + s

    zeros16 = jnp.zeros((16,), jnp.float32)
    zeros16i = jnp.zeros((16,), jnp.int32)
    iota16 = lax.iota(jnp.int32, 16)

    sstart = pl.multiple_of(SC_GROUPS_PER_W * wid, 8)
    hstart = HGROUPS_PER_W * wid + jnp.minimum(wid, N_EXTRA)
    has_extra = wid < N_EXTRA
    nh = HGROUPS_PER_W + has_extra.astype(jnp.int32)
    hoff = hstart & 7
    hwstart = pl.multiple_of(hstart - hoff, 8)

    bufs = (xbuf0, xbuf1, xbuf2, xbuf3)
    gsems = (gsem0, gsem1, gsem2, gsem3)
    ssems = (ssem0, ssem1, ssem2, ssem3)

    def _gather(k, b):
        pltpu.async_copy(
            x_hbm.at[pl.ds((sstart + k) * GROUP, GROUP)], bufs[b],
            gsems[b])

    def _drain_gather(b):
        pltpu.make_async_copy(x_hbm.at[pl.ds(0, GROUP)], bufs[b],
                              gsems[b]).wait()

    def _scatter(k, b):
        pltpu.async_copy(bufs[b], acc.at[idxs.at[k]], ssems[b], add=True)

    def _drain_scatter(b):
        pltpu.make_async_copy(x_hbm.at[pl.ds(0, GROUP)], bufs[b],
                              ssems[b]).wait()

    for b in range(4):
        _gather(b, b)

    def _z_hist(k, _):
        hist[k // 8, pl.ds((k % 8) * 16, 16)] = zeros16i
        return 0
    lax.fori_loop(0, HROWS * 8, _z_hist, 0)

    def _z_fzero(k, _):
        fzero[k // 8, pl.ds((k % 8) * 16, 16)] = zeros16
        return 0
    lax.fori_loop(0, SEG_PER_TILE * 8, _z_fzero, 0)

    for j in range(8):
        idbuf[0, pl.ds(j * 16, 16)] = iota16 + (j * 16)

    seg0 = s * SEG_PER_TILE
    hseg0 = s * HSEG_PER_TILE
    pltpu.sync_copy(fzero, acc.at[pl.ds(seg0, SEG_PER_TILE)])
    pltpu.sync_copy(hist.at[pl.ds(0, HSEG_PER_TILE)],
                    cntsq.at[pl.ds(hseg0, HSEG_PER_TILE)])
    plsc.subcore_barrier()

    pltpu.sync_copy(b_hbm.at[pl.ds(sstart, SC_GROUPS_PER_W)], idxs)
    pltpu.sync_copy(b_hbm.at[pl.ds(hwstart, IDX_WIN)], idxh)

    ones16 = zeros16i + 1

    def _hist_row(r):
        for j in range(8):
            v = idxh[hoff + r, pl.ds(j * 16, 16)]
            plsc.addupdate_scatter(hist, [v >> 3, (v & 7) * 16], ones16)

    def _quad(g, _):
        k0 = 4 * g
        for b in range(4):
            _hist_row(k0 + b)
            _drain_gather(b)
            _scatter(k0 + b, b)
        for b in range(4):
            _drain_scatter(b)
            _gather(k0 + b + 4, b)
        return 0
    lax.fori_loop(0, N_QUAD, _quad, 0)

    t0 = N_QUAD * 4
    for b in range(4):
        _hist_row(t0 + b)
        _drain_gather(b)
        _scatter(t0 + b, b)
    for b in range(4):
        _drain_scatter(b)

    def _hist_rest(r, _):
        _hist_row(r)
        return 0
    lax.fori_loop(SC_GROUPS_PER_W, nh, _hist_rest, 0)

    pltpu.sync_copy(hist, cntsq.at[idbuf.at[0]], add=True)

    plsc.subcore_barrier()

    pltpu.sync_copy(acc.at[pl.ds(seg0, SEG_PER_TILE)],
                    sums_hbm.at[c, pl.ds(seg0, SEG_PER_TILE)])
    pltpu.sync_copy(cntsq.at[pl.ds(hseg0, HSEG_PER_TILE)],
                    cnts_hbm.at[c, pl.ds(hseg0, HSEG_PER_TILE)])


_sc_segment_sum = functools.partial(
    pl.kernel,
    out_type=(
        jax.ShapeDtypeStruct((NC, N_SEG, D), jnp.float32),
        jax.ShapeDtypeStruct((NC, HROWS, 128), jnp.int32),
    ),
    mesh=plsc.VectorSubcoreMesh(core_axis_name="c", subcore_axis_name="s"),
    scratch_types=[
        pltpu.VMEM_SHARED((N_SEG, D), jnp.float32),
        pltpu.VMEM_SHARED((HROWS, 128), jnp.int32),
        pltpu.VMEM((GROUP, D), jnp.float32),
        pltpu.VMEM((GROUP, D), jnp.float32),
        pltpu.VMEM((GROUP, D), jnp.float32),
        pltpu.VMEM((GROUP, D), jnp.float32),
        pltpu.VMEM((SC_GROUPS_PER_W, 128), jnp.int32),
        pltpu.VMEM((IDX_WIN, 128), jnp.int32),
        pltpu.VMEM((HROWS, 128), jnp.int32),
        pltpu.VMEM((1, 128), jnp.int32),
        pltpu.VMEM((SEG_PER_TILE, 128), jnp.float32),
        pltpu.SemaphoreType.DMA,
        pltpu.SemaphoreType.DMA,
        pltpu.SemaphoreType.DMA,
        pltpu.SemaphoreType.DMA,
        pltpu.SemaphoreType.DMA,
        pltpu.SemaphoreType.DMA,
        pltpu.SemaphoreType.DMA,
        pltpu.SemaphoreType.DMA,
    ],
    compiler_params=pltpu.CompilerParams(needs_layout_passes=False),
)(_sc_body)


def _tc_body(ids_ref, x_ref, o_ref):
    i = pl.program_id(0)

    @pl.when(i == 0)
    def _init():
        o_ref[...] = jnp.zeros_like(o_ref)

    ids = ids_ref[0, 0]
    oh = (jax.lax.broadcasted_iota(jnp.int32, (TC_BLK, N_SEG), 1)
          == ids[:, None]).astype(jnp.bfloat16)
    xb = x_ref[...].astype(jnp.bfloat16)
    o_ref[...] += lax.dot_general(
        oh, xb, (((0,), (0,)), ((), ())),
        preferred_element_type=jnp.float32)


def _tc_partial(ids3d, x):
    blk0 = SC_ROWS // TC_BLK
    return pl.pallas_call(
        _tc_body,
        grid=(TC_NBLK,),
        in_specs=[
            pl.BlockSpec((1, 1, TC_BLK), lambda i: (i, 0, 0)),
            pl.BlockSpec((TC_BLK, D), lambda i: (blk0 + i, 0)),
        ],
        out_specs=pl.BlockSpec((N_SEG, D), lambda i: (0, 0)),
        out_shape=jax.ShapeDtypeStruct((N_SEG, D), jnp.float32),
    )(ids3d, x)


def _combine_body(s_ref, t_ref, c_ref, o_ref):
    sm = s_ref[...]
    cn = c_ref[...]
    tot = sm[0] + sm[1] + t_ref[...]
    cnt = jnp.maximum((cn[0] + cn[1]).astype(jnp.float32), 1.0)
    o_ref[...] = tot / cnt[:, None]


def _combine(sums, tc_sums, counts):
    return pl.pallas_call(
        _combine_body,
        out_shape=jax.ShapeDtypeStruct((N_SEG, D), jnp.float32),
    )(sums, tc_sums, counts)


def kernel(x, batch):
    b32 = batch.astype(jnp.int32)
    pad = jnp.zeros((IDX_PAD_ROWS * GROUP - N_ROWS,), jnp.int32)
    batch2d = jnp.concatenate([b32, pad]).reshape(IDX_PAD_ROWS, GROUP)
    ids3d = b32[SC_ROWS:].reshape(TC_NBLK, 1, TC_BLK)
    tc_sums = _tc_partial(ids3d, x)
    sums, cnts = _sc_segment_sum(x, batch2d)
    counts = cnts[:, :, ::16].reshape(NC, N_SEG)
    return _combine(sums, tc_sums, counts)

# --- scband reference (transcript-rebuilt; emitter-appended) ---
"""Pipeline reference for scband-base-encoder-84894323572903 (READ-ONLY COPY).

The authoritative reference and input builder live on the scoring server;
editing this copy changes nothing except your own understanding.
"""

import jax, jax.numpy as jnp
import numpy as np

NUM_SEGMENTS = 1024

def setup_inputs(seed: int = 0) -> dict:
    key = jax.random.key(seed)
    k1, k2 = jax.random.split(key)
    x = jax.random.normal(k1, (320000, 128), dtype=jnp.float32)
    batch = jnp.sort(jax.random.randint(k2, (320000,), 0, NUM_SEGMENTS, dtype=jnp.int64))
    return {"x": x, "batch": batch}

def reference(x, batch):
    # _BaseEncoder._pool with pooling='mean' == global_mean_pool(x, batch)
    sums = jax.ops.segment_sum(x, batch, num_segments=NUM_SEGMENTS)
    counts = jax.ops.segment_sum(jnp.ones((x.shape[0],), dtype=x.dtype), batch, num_segments=NUM_SEGMENTS)
    counts = jnp.maximum(counts, 1.0)
    return sums / counts[:, None]

if __name__ == "__main__":
    import jax
    _d = setup_inputs()
    print(jax.jit(kernel)(*tuple(_d.values())))

</pallas_src>

<mosaic_0001>
#map = affine_map<(d0, d1) -> (0, 0)>
#map1 = affine_map<(d0, d1) -> (0, 0, 0)>
module attributes {stable_mosaic.version = 14 : i64} {
  func.func @_sc_body(%arg0: i32, %arg1: i32, %arg2: memref<320000x128xf32, #tpu.memory_space<hbm>>, %arg3: memref<2504x128xi32, #tpu.memory_space<hbm>>, %arg4: memref<2x1024x128xf32, #tpu.memory_space<hbm>>, %arg5: memref<2x128x128xi32, #tpu.memory_space<hbm>>, %arg6: memref<1024x128xf32, #tpu.memory_space<vmem_shared>>, %arg7: memref<128x128xi32, #tpu.memory_space<vmem_shared>>, %arg8: memref<128x128xf32, #tpu.memory_space<vmem>>, %arg9: memref<128x128xf32, #tpu.memory_space<vmem>>, %arg10: memref<128x128xf32, #tpu.memory_space<vmem>>, %arg11: memref<128x128xf32, #tpu.memory_space<vmem>>, %arg12: memref<72x128xi32, #tpu.memory_space<vmem>>, %arg13: memref<88x128xi32, #tpu.memory_space<vmem>>, %arg14: memref<128x128xi32, #tpu.memory_space<vmem>>, %arg15: memref<1x128xi32, #tpu.memory_space<vmem>>, %arg16: memref<64x128xf32, #tpu.memory_space<vmem>>, %arg17: memref<!tpu.dma_semaphore, #tpu.memory_space<semaphore_mem>>, %arg18: memref<!tpu.dma_semaphore, #tpu.memory_space<semaphore_mem>>, %arg19: memref<!tpu.dma_semaphore, #tpu.memory_space<semaphore_mem>>, %arg20: memref<!tpu.dma_semaphore, #tpu.memory_space<semaphore_mem>>, %arg21: memref<!tpu.dma_semaphore, #tpu.memory_space<semaphore_mem>>, %arg22: memref<!tpu.dma_semaphore, #tpu.memory_space<semaphore_mem>>, %arg23: memref<!tpu.dma_semaphore, #tpu.memory_space<semaphore_mem>>, %arg24: memref<!tpu.dma_semaphore, #tpu.memory_space<semaphore_mem>>) attributes {dimension_semantics = [#tpu.dimension_semantics<core_parallel>, #tpu.dimension_semantics<subcore_parallel>], iteration_bounds = array<i64: 2, 16>, scalar_prefetch = 0 : i64, scratch_operands = 19 : i64, tpu.core_type = #tpu.core_type<sc_vector_subcore>, window_params = [{transform_indices = #map}, {transform_indices = #map}, {transform_indices = #map1}, {transform_indices = #map1}]} {
    %mul3A = arith.constant 16 : i32
    %mul3A_0 = arith.muli %arg0, %mul3A : i32
    %add3A = arith.addi %mul3A_0, %arg1 : i32
    %broadcast_in_dim3A = arith.constant 0.000000e+00 : f32
    %broadcast_in_dim3A_1 = vector.broadcast %broadcast_in_dim3A : f32 to vector<16xf32>
    %broadcast_in_dim3A_2 = arith.constant 0 : i32
    %broadcast_in_dim3A_3 = vector.broadcast %broadcast_in_dim3A_2 : i32 to vector<16xi32>
    %iota3A = tpu.iota {dimensions = array<i32: 0>} : vector<16xi32>
    %mul3A_4 = arith.constant 72 : i32
    %mul3A_5 = arith.muli %mul3A_4, %add3A : i32
    %multiple_of3A = tpu.assume_multiple %mul3A_5, 8 : i32
    %mul3A_6 = arith.constant 78 : i32
    %mul3A_7 = arith.muli %mul3A_6, %add3A : i32
    %min3A = arith.constant 4 : i32
    %min3A_8 = arith.minsi %add3A, %min3A : i32
    %add3A_9 = arith.addi %mul3A_7, %min3A_8 : i32
    %lt3A = arith.constant 4 : i32
    %lt3A_10 = arith.cmpi slt, %add3A, %lt3A : i32
    %convert_element_type3A = arith.extui %lt3A_10 : i1 to i32
    %add3A_11 = arith.constant 78 : i32
    %add3A_12 = arith.addi %add3A_11, %convert_element_type3A : i32
    %and3A = arith.constant 7 : i32
    %and3A_13 = arith.andi %add3A_9, %and3A : i32
    %sub3A = arith.subi %add3A_9, %and3A_13 : i32
    %multiple_of3A_14 = tpu.assume_multiple %sub3A, 8 : i32
    %add3A_15 = arith.constant 0 : i32
    %add3A_16 = arith.addi %multiple_of3A, %add3A_15 : i32
    %mul3A_17 = arith.constant 128 : i32
    %mul3A_18 = arith.muli %add3A_16, %mul3A_17 : i32
    %dma_start3A = arith.constant 0 : i32
    %dma_start3A_19 = tpu.memref_slice %arg2[%mul3A_18, %dma_start3A] : memref<320000x128xf32, #tpu.memory_space<hbm>> -> memref<128x128xf32, #tpu.memory_space<hbm>>
    %dma_start3A_20 = arith.constant 0 : i32
    %dma_start3A_21 = tpu.memref_slice %arg2[%mul3A_18, %dma_start3A_20] : memref<320000x128xf32, #tpu.memory_space<hbm>> -> memref<128x128xf32, #tpu.memory_space<hbm>>
    tpu.enqueue_dma source(%dma_start3A_21 : memref<128x128xf32, #tpu.memory_space<hbm>>) target(%arg8 : memref<128x128xf32, #tpu.memory_space<vmem>>) target_semaphore(%arg17 : memref<!tpu.dma_semaphore, #tpu.memory_space<semaphore_mem>>)
    %add3A_22 = arith.constant 1 : i32
    %add3A_23 = arith.addi %multiple_of3A, %add3A_22 : i32
    %mul3A_24 = arith.constant 128 : i32
    %mul3A_25 = arith.muli %add3A_23, %mul3A_24 : i32
    %dma_start3A_26 = arith.constant 0 : i32
    %dma_start3A_27 = tpu.memref_slice %arg2[%mul3A_25, %dma_start3A_26] : memref<320000x128xf32, #tpu.memory_space<hbm>> -> memref<128x128xf32, #tpu.memory_space<hbm>>
    %dma_start3A_28 = arith.constant 0 : i32
    %dma_start3A_29 = tpu.memref_slice %arg2[%mul3A_25, %dma_start3A_28] : memref<320000x128xf32, #tpu.memory_space<hbm>> -> memref<128x128xf32, #tpu.memory_space<hbm>>
    tpu.enqueue_dma source(%dma_start3A_29 : memref<128x128xf32, #tpu.memory_space<hbm>>) target(%arg9 : memref<128x128xf32, #tpu.memory_space<vmem>>) target_semaphore(%arg18 : memref<!tpu.dma_semaphore, #tpu.memory_space<semaphore_mem>>)
    %add3A_30 = arith.constant 2 : i32
    %add3A_31 = arith.addi %multiple_of3A, %add3A_30 : i32
    %mul3A_32 = arith.constant 128 : i32
    %mul3A_33 = arith.muli %add3A_31, %mul3A_32 : i32
    %dma_start3A_34 = arith.constant 0 : i32
    %dma_start3A_35 = tpu.memref_slice %arg2[%mul3A_33, %dma_start3A_34] : memref<320000x128xf32, #tpu.memory_space<hbm>> -> memref<128x128xf32, #tpu.memory_space<hbm>>
    %dma_start3A_36 = arith.constant 0 : i32
    %dma_start3A_37 = tpu.memref_slice %arg2[%mul3A_33, %dma_start3A_36] : memref<320000x128xf32, #tpu.memory_space<hbm>> -> memref<128x128xf32, #tpu.memory_space<hbm>>
    tpu.enqueue_dma source(%dma_start3A_37 : memref<128x128xf32, #tpu.memory_space<hbm>>) target(%arg10 : memref<128x128xf32, #tpu.memory_space<vmem>>) target_semaphore(%arg19 : memref<!tpu.dma_semaphore, #tpu.memory_space<semaphore_mem>>)
    %add3A_38 = arith.constant 3 : i32
    %add3A_39 = arith.addi %multiple_of3A, %add3A_38 : i32
    %mul3A_40 = arith.constant 128 : i32
    %mul3A_41 = arith.muli %add3A_39, %mul3A_40 : i32
    %dma_start3A_42 = arith.constant 0 : i32
    %dma_start3A_43 = tpu.memref_slice %arg2[%mul3A_41, %dma_start3A_42] : memref<320000x128xf32, #tpu.memory_space<hbm>> -> memref<128x128xf32, #tpu.memory_space<hbm>>
    %dma_start3A_44 = arith.constant 0 : i32
    %dma_start3A_45 = tpu.memref_slice %arg2[%mul3A_41, %dma_start3A_44] : memref<320000x128xf32, #tpu.memory_space<hbm>> -> memref<128x128xf32, #tpu.memory_space<hbm>>
    tpu.enqueue_dma source(%dma_start3A_45 : memref<128x128xf32, #tpu.memory_space<hbm>>) target(%arg11 : memref<128x128xf32, #tpu.memory_space<vmem>>) target_semaphore(%arg20 : memref<!tpu.dma_semaphore, #tpu.memory_space<semaphore_mem>>)
    %scan3A = arith.constant 0 : i32
    %scan3A_46 = arith.constant 0 : i32
    %scan3A_47 = arith.constant 1024 : i32
    %scan3A_48 = arith.addi %scan3A_46, %scan3A_47 : i32
    %scan3A_49 = arith.constant 1 : i32
    %scan3A_50 = scf.for %scan3A_661 = %scan3A_46 to %scan3A_48 step %scan3A_49 iter_args(%scan3A_662 = %scan3A) -> (i32)  : i32 {
      %jit3A = arith.constant 8 : i32
      %div3A = arith.divsi %scan3A_661, %jit3A : i32
      %sign3A = arith.constant 0 : i32
      %sign3A_663 = arith.cmpi sgt, %scan3A_661, %sign3A : i32
      %sign3A_664 = arith.extui %sign3A_663 : i1 to i32
      %sign3A_665 = arith.constant 0 : i32
      %sign3A_666 = arith.cmpi slt, %scan3A_661, %sign3A_665 : i32
      %sign3A_667 = arith.extui %sign3A_666 : i1 to i32
      %sign3A_668 = arith.subi %sign3A_664, %sign3A_667 : i32
      %sign3A_669 = arith.constant 0 : i32
      %sign3A_670 = arith.cmpi sgt, %jit3A, %sign3A_669 : i32
      %sign3A_671 = arith.extui %sign3A_670 : i1 to i32
      %sign3A_672 = arith.constant 0 : i32
      %sign3A_673 = arith.cmpi slt, %jit3A, %sign3A_672 : i32
      %sign3A_674 = arith.extui %sign3A_673 : i1 to i32
      %sign3A_675 = arith.subi %sign3A_671, %sign3A_674 : i32
      %ne3A = arith.cmpi ne, %sign3A_668, %sign3A_675 : i32
      %rem3A = arith.remsi %scan3A_661, %jit3A : i32
      %ne3A_676 = arith.constant 0 : i32
      %ne3A_677 = arith.cmpi ne, %rem3A, %ne3A_676 : i32
      %and3A_678 = arith.andi %ne3A, %ne3A_677 : i1
      %sub3A_679 = arith.constant 1 : i32
      %sub3A_680 = arith.subi %div3A, %sub3A_679 : i32
      %select_n3A = arith.select %and3A_678, %sub3A_680, %div3A : i32
      %jit3A_681 = arith.constant 8 : i32
      %eq3A = arith.constant 0 : i32
      %eq3A_682 = arith.cmpi eq, %jit3A_681, %eq3A : i32
      %jit3A_683 = arith.constant 1 : i32
      %select_n3A_684 = arith.select %eq3A_682, %jit3A_683, %jit3A_681 : i32
      %rem3A_685 = arith.remsi %scan3A_661, %select_n3A_684 : i32
      %ne3A_686 = arith.constant 0 : i32
      %ne3A_687 = arith.cmpi ne, %rem3A_685, %ne3A_686 : i32
      %lt3A_688 = arith.constant 0 : i32
      %lt3A_689 = arith.cmpi slt, %rem3A_685, %lt3A_688 : i32
      %lt3A_690 = arith.constant 0 : i32
      %lt3A_691 = arith.cmpi slt, %select_n3A_684, %lt3A_690 : i32
      %ne3A_692 = arith.xori %lt3A_689, %lt3A_691 : i1
      %and3A_693 = arith.andi %ne3A_692, %ne3A_687 : i1
      %add3A_694 = arith.addi %rem3A_685, %select_n3A_684 : i32
      %select_n3A_695 = arith.select %and3A_693, %add3A_694, %rem3A_685 : i32
      %mul3A_696 = arith.constant 16 : i32
      %mul3A_697 = arith.muli %select_n3A_695, %mul3A_696 : i32
      %swap3A_698 = arith.index_cast %select_n3A : i32 to index
      %swap3A_699 = arith.index_cast %mul3A_697 : i32 to index
      %swap3A_700 = tpu.vector_load %arg14[%swap3A_698, %swap3A_699] {strides = array<i32>} : memref<128x128xi32, #tpu.memory_space<vmem>>, vector<16xi32>,
      tpu.vector_store %arg14[%swap3A_698, %swap3A_699], %broadcast_in_dim3A_3 {strides = array<i32>} : memref<128x128xi32, #tpu.memory_space<vmem>>, vector<16xi32>,
      %scan3A_701 = arith.constant 0 : i32
      scf.yield %scan3A_701 : i32
    }
    %scan3A_51 = arith.constant 1024 : i32
    %scan3A_52 = arith.constant 0 : i32
    %scan3A_53 = arith.constant 0 : i32
    %scan3A_54 = arith.constant 512 : i32
    %scan3A_55 = arith.addi %scan3A_53, %scan3A_54 : i32
    %scan3A_56 = arith.constant 1 : i32
    %scan3A_57 = scf.for %scan3A_661 = %scan3A_53 to %scan3A_55 step %scan3A_56 iter_args(%scan3A_662 = %scan3A_52) -> (i32)  : i32 {
      %jit3A = arith.constant 8 : i32
      %div3A = arith.divsi %scan3A_661, %jit3A : i32
      %sign3A = arith.constant 0 : i32
      %sign3A_663 = arith.cmpi sgt, %scan3A_661, %sign3A : i32
      %sign3A_664 = arith.extui %sign3A_663 : i1 to i32
      %sign3A_665 = arith.constant 0 : i32
      %sign3A_666 = arith.cmpi slt, %scan3A_661, %sign3A_665 : i32
      %sign3A_667 = arith.extui %sign3A_666 : i1 to i32
      %sign3A_668 = arith.subi %sign3A_664, %sign3A_667 : i32
      %sign3A_669 = arith.constant 0 : i32
      %sign3A_670 = arith.cmpi sgt, %jit3A, %sign3A_669 : i32
      %sign3A_671 = arith.extui %sign3A_670 : i1 to i32
      %sign3A_672 = arith.constant 0 : i32
      %sign3A_673 = arith.cmpi slt, %jit3A, %sign3A_672 : i32
      %sign3A_674 = arith.extui %sign3A_673 : i1 to i32
      %sign3A_675 = arith.subi %sign3A_671, %sign3A_674 : i32
      %ne3A = arith.cmpi ne, %sign3A_668, %sign3A_675 : i32
      %rem3A = arith.remsi %scan3A_661, %jit3A : i32
      %ne3A_676 = arith.constant 0 : i32
      %ne3A_677 = arith.cmpi ne, %rem3A, %ne3A_676 : i32
      %and3A_678 = arith.andi %ne3A, %ne3A_677 : i1
      %sub3A_679 = arith.constant 1 : i32
      %sub3A_680 = arith.subi %div3A, %sub3A_679 : i32
      %select_n3A = arith.select %and3A_678, %sub3A_680, %div3A : i32
      %jit3A_681 = arith.constant 8 : i32
      %eq3A = arith.constant 0 : i32
      %eq3A_682 = arith.cmpi eq, %jit3A_681, %eq3A : i32
      %jit3A_683 = arith.constant 1 : i32
      %select_n3A_684 = arith.select %eq3A_682, %jit3A_683, %jit3A_681 : i32
      %rem3A_685 = arith.remsi %scan3A_661, %select_n3A_684 : i32
      %ne3A_686 = arith.constant 0 : i32
      %ne3A_687 = arith.cmpi ne, %rem3A_685, %ne3A_686 : i32
      %lt3A_688 = arith.constant 0 : i32
      %lt3A_689 = arith.cmpi slt, %rem3A_685, %lt3A_688 : i32
      %lt3A_690 = arith.constant 0 : i32
      %lt3A_691 = arith.cmpi slt, %select_n3A_684, %lt3A_690 : i32
      %ne3A_692 = arith.xori %lt3A_689, %lt3A_691 : i1
      %and3A_693 = arith.andi %ne3A_692, %ne3A_687 : i1
      %add3A_694 = arith.addi %rem3A_685, %select_n3A_684 : i32
      %select_n3A_695 = arith.select %and3A_693, %add3A_694, %rem3A_685 : i32
      %mul3A_696 = arith.constant 16 : i32
      %mul3A_697 = arith.muli %select_n3A_695, %mul3A_696 : i32
      %swap3A_698 = arith.index_cast %select_n3A : i32 to index
      %swap3A_699 = arith.index_cast %mul3A_697 : i32 to index
      %swap3A_700 = tpu.vector_load %arg16[%swap3A_698, %swap3A_699] {strides = array<i32>} : memref<64x128xf32, #tpu.memory_space<vmem>>, vector<16xf32>,
      tpu.vector_store %arg16[%swap3A_698, %swap3A_699], %broadcast_in_dim3A_1 {strides = array<i32>} : memref<64x128xf32, #tpu.memory_space<vmem>>, vector<16xf32>,
      %scan3A_701 = arith.constant 0 : i32
      scf.yield %scan3A_701 : i32
    }
    %scan3A_58 = arith.constant 512 : i32
    %add3A_59 = arith.constant 0 : i32
    %add3A_60 = vector.broadcast %add3A_59 : i32 to vector<16xi32>
    %add3A_61 = arith.addi %iota3A, %add3A_60 : vector<16xi32>
    %swap3A = arith.constant 0 : i32
    %swap3A_62 = arith.index_cast %swap3A : i32 to index
    %swap3A_63 = arith.constant 0 : index
    %swap3A_64 = tpu.vector_load %arg15[%swap3A_62, %swap3A_63] {strides = array<i32>} : memref<1x128xi32, #tpu.memory_space<vmem>>, vector<16xi32>,
    tpu.vector_store %arg15[%swap3A_62, %swap3A_63], %add3A_61 {strides = array<i32>} : memref<1x128xi32, #tpu.memory_space<vmem>>, vector<16xi32>,
    %add3A_65 = arith.constant 16 : i32
    %add3A_66 = vector.broadcast %add3A_65 : i32 to vector<16xi32>
    %add3A_67 = arith.addi %iota3A, %add3A_66 : vector<16xi32>
    %swap3A_68 = arith.constant 0 : i32
    %swap3A_69 = arith.index_cast %swap3A_68 : i32 to index
    %swap3A_70 = arith.constant 16 : index
    %swap3A_71 = tpu.vector_load %arg15[%swap3A_69, %swap3A_70] {strides = array<i32>} : memref<1x128xi32, #tpu.memory_space<vmem>>, vector<16xi32>,
    tpu.vector_store %arg15[%swap3A_69, %swap3A_70], %add3A_67 {strides = array<i32>} : memref<1x128xi32, #tpu.memory_space<vmem>>, vector<16xi32>,
    %add3A_72 = arith.constant 32 : i32
    %add3A_73 = vector.broadcast %add3A_72 : i32 to vector<16xi32>
    %add3A_74 = arith.addi %iota3A, %add3A_73 : vector<16xi32>
    %swap3A_75 = arith.constant 0 : i32
    %swap3A_76 = arith.index_cast %swap3A_75 : i32 to index
    %swap3A_77 = arith.constant 32 : index
    %swap3A_78 = tpu.vector_load %arg15[%swap3A_76, %swap3A_77] {strides = array<i32>} : memref<1x128xi32, #tpu.memory_space<vmem>>, vector<16xi32>,
    tpu.vector_store %arg15[%swap3A_76, %swap3A_77], %add3A_74 {strides = array<i32>} : memref<1x128xi32, #tpu.memory_space<vmem>>, vector<16xi32>,
    %add3A_79 = arith.constant 48 : i32
    %add3A_80 = vector.broadcast %add3A_79 : i32 to vector<16xi32>
    %add3A_81 = arith.addi %iota3A, %add3A_80 : vector<16xi32>
    %swap3A_82 = arith.constant 0 : i32
    %swap3A_83 = arith.index_cast %swap3A_82 : i32 to index
    %swap3A_84 = arith.constant 48 : index
    %swap3A_85 = tpu.vector_load %arg15[%swap3A_83, %swap3A_84] {strides = array<i32>} : memref<1x128xi32, #tpu.memory_space<vmem>>, vector<16xi32>,
    tpu.vector_store %arg15[%swap3A_83, %swap3A_84], %add3A_81 {strides = array<i32>} : memref<1x128xi32, #tpu.memory_space<vmem>>, vector<16xi32>,
    %add3A_86 = arith.constant 64 : i32
    %add3A_87 = vector.broadcast %add3A_86 : i32 to vector<16xi32>
    %add3A_88 = arith.addi %iota3A, %add3A_87 : vector<16xi32>
    %swap3A_89 = arith.constant 0 : i32
    %swap3A_90 = arith.index_cast %swap3A_89 : i32 to index
    %swap3A_91 = arith.constant 64 : index
    %swap3A_92 = tpu.vector_load %arg15[%swap3A_90, %swap3A_91] {strides = array<i32>} : memref<1x128xi32, #tpu.memory_space<vmem>>, vector<16xi32>,
    tpu.vector_store %arg15[%swap3A_90, %swap3A_91], %add3A_88 {strides = array<i32>} : memref<1x128xi32, #tpu.memory_space<vmem>>, vector<16xi32>,
    %add3A_93 = arith.constant 80 : i32
    %add3A_94 = vector.broadcast %add3A_93 : i32 to vector<16xi32>
    %add3A_95 = arith.addi %iota3A, %add3A_94 : vector<16xi32>
    %swap3A_96 = arith.constant 0 : i32
    %swap3A_97 = arith.index_cast %swap3A_96 : i32 to index
    %swap3A_98 = arith.constant 80 : index
    %swap3A_99 = tpu.vector_load %arg15[%swap3A_97, %swap3A_98] {strides = array<i32>} : memref<1x128xi32, #tpu.memory_space<vmem>>, vector<16xi32>,
    tpu.vector_store %arg15[%swap3A_97, %swap3A_98], %add3A_95 {strides = array<i32>} : memref<1x128xi32, #tpu.memory_space<vmem>>, vector<16xi32>,
    %add3A_100 = arith.constant 96 : i32
    %add3A_101 = vector.broadcast %add3A_100 : i32 to vector<16xi32>
    %add3A_102 = arith.addi %iota3A, %add3A_101 : vector<16xi32>
    %swap3A_103 = arith.constant 0 : i32
    %swap3A_104 = arith.index_cast %swap3A_103 : i32 to index
    %swap3A_105 = arith.constant 96 : index
    %swap3A_106 = tpu.vector_load %arg15[%swap3A_104, %swap3A_105] {strides = array<i32>} : memref<1x128xi32, #tpu.memory_space<vmem>>, vector<16xi32>,
    tpu.vector_store %arg15[%swap3A_104, %swap3A_105], %add3A_102 {strides = array<i32>} : memref<1x128xi32, #tpu.memory_space<vmem>>, vector<16xi32>,
    %add3A_107 = arith.constant 112 : i32
    %add3A_108 = vector.broadcast %add3A_107 : i32 to vector<16xi32>
    %add3A_109 = arith.addi %iota3A, %add3A_108 : vector<16xi32>
    %swap3A_110 = arith.constant 0 : i32
    %swap3A_111 = arith.index_cast %swap3A_110 : i32 to index
    %swap3A_112 = arith.constant 112 : index
    %swap3A_113 = tpu.vector_load %arg15[%swap3A_111, %swap3A_112] {strides = array<i32>} : memref<1x128xi32, #tpu.memory_space<vmem>>, vector<16xi32>,
    tpu.vector_store %arg15[%swap3A_111, %swap3A_112], %add3A_109 {strides = array<i32>} : memref<1x128xi32, #tpu.memory_space<vmem>>, vector<16xi32>,
    %mul3A_114 = arith.constant 64 : i32
    %mul3A_115 = arith.muli %arg1, %mul3A_114 : i32
    %mul3A_116 = arith.constant 8 : i32
    %mul3A_117 = arith.muli %arg1, %mul3A_116 : i32
    "tpu.region"() ({
      %run_scoped3A_661 = tpu.sem_alloc : memref<!tpu.dma_semaphore, #tpu.memory_space<semaphore_mem>>
      %dma_start3A_662 = arith.constant 0 : i32
      %dma_start3A_663 = tpu.memref_slice %arg6[%mul3A_115, %dma_start3A_662] : memref<1024x128xf32, #tpu.memory_space<vmem_shared>> -> memref<64x128xf32, #tpu.memory_space<vmem_shared>>
      %dma_start3A_664 = arith.constant 0 : i32
      %dma_start3A_665 = tpu.memref_slice %arg6[%mul3A_115, %dma_start3A_664] : memref<1024x128xf32, #tpu.memory_space<vmem_shared>> -> memref<64x128xf32, #tpu.memory_space<vmem_shared>>
      tpu.enqueue_dma source(%arg16 : memref<64x128xf32, #tpu.memory_space<vmem>>) target(%dma_start3A_665 : memref<64x128xf32, #tpu.memory_space<vmem_shared>>) target_semaphore(%run_scoped3A_661 : memref<!tpu.dma_semaphore, #tpu.memory_space<semaphore_mem>>)
      %dma_wait3A_666 = arith.constant 0 : i32
      %dma_wait3A_667 = tpu.memref_slice %arg6[%mul3A_115, %dma_wait3A_666] : memref<1024x128xf32, #tpu.memory_space<vmem_shared>> -> memref<64x128xf32, #tpu.memory_space<vmem_shared>>
      %dma_wait3A_668 = arith.constant 0 : i32
      %dma_wait3A_669 = tpu.memref_slice %arg6[%mul3A_115, %dma_wait3A_668] : memref<1024x128xf32, #tpu.memory_space<vmem_shared>> -> memref<64x128xf32, #tpu.memory_space<vmem_shared>>
      tpu.wait_dma2 semaphore(%run_scoped3A_661 : memref<!tpu.dma_semaphore, #tpu.memory_space<semaphore_mem>>) src(%arg16 : memref<64x128xf32, #tpu.memory_space<vmem>>) dst(%dma_wait3A_669 : memref<64x128xf32, #tpu.memory_space<vmem_shared>>)
      tpu.yield
    }) : () -> ()
    "tpu.region"() ({
      %run_scoped3A_661 = tpu.sem_alloc : memref<!tpu.dma_semaphore, #tpu.memory_space<semaphore_mem>>
      %dma_start3A_662 = arith.constant 0 : i32
      %dma_start3A_663 = arith.constant 0 : i32
      %dma_start3A_664 = tpu.memref_slice %arg14[%dma_start3A_662, %dma_start3A_663] : memref<128x128xi32, #tpu.memory_space<vmem>> -> memref<8x128xi32, #tpu.memory_space<vmem>>
      %dma_start3A_665 = arith.constant 0 : i32
      %dma_start3A_666 = tpu.memref_slice %arg7[%mul3A_117, %dma_start3A_665] : memref<128x128xi32, #tpu.memory_space<vmem_shared>> -> memref<8x128xi32, #tpu.memory_space<vmem_shared>>
      %dma_start3A_667 = arith.constant 0 : i32
      %dma_start3A_668 = tpu.memref_slice %arg7[%mul3A_117, %dma_start3A_667] : memref<128x128xi32, #tpu.memory_space<vmem_shared>> -> memref<8x128xi32, #tpu.memory_space<vmem_shared>>
      %dma_start3A_669 = arith.constant 0 : i32
      %dma_start3A_670 = arith.constant 0 : i32
      %dma_start3A_671 = tpu.memref_slice %arg14[%dma_start3A_669, %dma_start3A_670] : memref<128x128xi32, #tpu.memory_space<vmem>> -> memref<8x128xi32, #tpu.memory_space<vmem>>
      tpu.enqueue_dma source(%dma_start3A_671 : memref<8x128xi32, #tpu.memory_space<vmem>>) target(%dma_start3A_668 : memref<8x128xi32, #tpu.memory_space<vmem_shared>>) target_semaphore(%run_scoped3A_661 : memref<!tpu.dma_semaphore, #tpu.memory_space<semaphore_mem>>)
      %dma_wait3A_672 = arith.constant 0 : i32
      %dma_wait3A_673 = arith.constant 0 : i32
      %dma_wait3A_674 = tpu.memref_slice %arg14[%dma_wait3A_672, %dma_wait3A_673] : memref<128x128xi32, #tpu.memory_space<vmem>> -> memref<8x128xi32, #tpu.memory_space<vmem>>
      %dma_wait3A_675 = arith.constant 0 : i32
      %dma_wait3A_676 = tpu.memref_slice %arg7[%mul3A_117, %dma_wait3A_675] : memref<128x128xi32, #tpu.memory_space<vmem_shared>> -> memref<8x128xi32, #tpu.memory_space<vmem_shared>>
      %dma_wait3A_677 = arith.constant 0 : i32
      %dma_wait3A_678 = tpu.memref_slice %arg7[%mul3A_117, %dma_wait3A_677] : memref<128x128xi32, #tpu.memory_space<vmem_shared>> -> memref<8x128xi32, #tpu.memory_space<vmem_shared>>
      %dma_wait3A_679 = arith.constant 0 : i32
      %dma_wait3A_680 = arith.constant 0 : i32
      %dma_wait3A_681 = tpu.memref_slice %arg14[%dma_wait3A_679, %dma_wait3A_680] : memref<128x128xi32, #tpu.memory_space<vmem>> -> memref<8x128xi32, #tpu.memory_space<vmem>>
      tpu.wait_dma2 semaphore(%run_scoped3A_661 : memref<!tpu.dma_semaphore, #tpu.memory_space<semaphore_mem>>) src(%dma_wait3A_681 : memref<8x128xi32, #tpu.memory_space<vmem>>) dst(%dma_wait3A_678 : memref<8x128xi32, #tpu.memory_space<vmem_shared>>)
      tpu.yield
    }) : () -> ()
    %barrier3A = arith.constant 0 : index
    tpu.barrier barrier_id(%barrier3A)
    "tpu.region"() ({
      %run_scoped3A_661 = tpu.sem_alloc : memref<!tpu.dma_semaphore, #tpu.memory_space<semaphore_mem>>
      %dma_start3A_662 = arith.constant 0 : i32
      %dma_start3A_663 = tpu.memref_slice %arg3[%multiple_of3A, %dma_start3A_662] : memref<2504x128xi32, #tpu.memory_space<hbm>> -> memref<72x128xi32, #tpu.memory_space<hbm>>
      %dma_start3A_664 = arith.constant 0 : i32
      %dma_start3A_665 = tpu.memref_slice %arg3[%multiple_of3A, %dma_start3A_664] : memref<2504x128xi32, #tpu.memory_space<hbm>> -> memref<72x128xi32, #tpu.memory_space<hbm>>
      tpu.enqueue_dma source(%dma_start3A_665 : memref<72x128xi32, #tpu.memory_space<hbm>>) target(%arg12 : memref<72x128xi32, #tpu.memory_space<vmem>>) target_semaphore(%run_scoped3A_661 : memref<!tpu.dma_semaphore, #tpu.memory_space<semaphore_mem>>)
      %dma_wait3A_666 = arith.constant 0 : i32
      %dma_wait3A_667 = tpu.memref_slice %arg3[%multiple_of3A, %dma_wait3A_666] : memref<2504x128xi32, #tpu.memory_space<hbm>> -> memref<72x128xi32, #tpu.memory_space<hbm>>
      %dma_wait3A_668 = arith.constant 0 : i32
      %dma_wait3A_669 = tpu.memref_slice %arg3[%multiple_of3A, %dma_wait3A_668] : memref<2504x128xi32, #tpu.memory_space<hbm>> -> memref<72x128xi32, #tpu.memory_space<hbm>>
      tpu.wait_dma2 semaphore(%run_scoped3A_661 : memref<!tpu.dma_semaphore, #tpu.memory_space<semaphore_mem>>) src(%dma_wait3A_669 : memref<72x128xi32, #tpu.memory_space<hbm>>) dst(%arg12 : memref<72x128xi32, #tpu.memory_space<vmem>>)
      tpu.yield
    }) : () -> ()
    "tpu.region"() ({
      %run_scoped3A_661 = tpu.sem_alloc : memref<!tpu.dma_semaphore, #tpu.memory_space<semaphore_mem>>
      %dma_start3A_662 = arith.constant 0 : i32
      %dma_start3A_663 = tpu.memref_slice %arg3[%multiple_of3A_14, %dma_start3A_662] : memref<2504x128xi32, #tpu.memory_space<hbm>> -> memref<88x128xi32, #tpu.memory_space<hbm>>
      %dma_start3A_664 = arith.constant 0 : i32
      %dma_start3A_665 = tpu.memref_slice %arg3[%multiple_of3A_14, %dma_start3A_664] : memref<2504x128xi32, #tpu.memory_space<hbm>> -> memref<88x128xi32, #tpu.memory_space<hbm>>
      tpu.enqueue_dma source(%dma_start3A_665 : memref<88x128xi32, #tpu.memory_space<hbm>>) target(%arg13 : memref<88x128xi32, #tpu.memory_space<vmem>>) target_semaphore(%run_scoped3A_661 : memref<!tpu.dma_semaphore, #tpu.memory_space<semaphore_mem>>)
      %dma_wait3A_666 = arith.constant 0 : i32
      %dma_wait3A_667 = tpu.memref_slice %arg3[%multiple_of3A_14, %dma_wait3A_666] : memref<2504x128xi32, #tpu.memory_space<hbm>> -> memref<88x128xi32, #tpu.memory_space<hbm>>
      %dma_wait3A_668 = arith.constant 0 : i32
      %dma_wait3A_669 = tpu.memref_slice %arg3[%multiple_of3A_14, %dma_wait3A_668] : memref<2504x128xi32, #tpu.memory_space<hbm>> -> memref<88x128xi32, #tpu.memory_space<hbm>>
      tpu.wait_dma2 semaphore(%run_scoped3A_661 : memref<!tpu.dma_semaphore, #tpu.memory_space<semaphore_mem>>) src(%dma_wait3A_669 : memref<88x128xi32, #tpu.memory_space<hbm>>) dst(%arg13 : memref<88x128xi32, #tpu.memory_space<vmem>>)
      tpu.yield
    }) : () -> ()
    %add3A_118 = arith.constant 1 : i32
    %add3A_119 = vector.broadcast %add3A_118 : i32 to vector<16xi32>
    %add3A_120 = arith.addi %broadcast_in_dim3A_3, %add3A_119 : vector<16xi32>
    %scan3A_121 = arith.constant 0 : i32
    %scan3A_122 = arith.constant 0 : i32
    %scan3A_123 = arith.constant 17 : i32
    %scan3A_124 = arith.addi %scan3A_122, %scan3A_123 : i32
    %scan3A_125 = arith.constant 1 : i32
    %scan3A_126 = scf.for %scan3A_661 = %scan3A_122 to %scan3A_124 step %scan3A_125 iter_args(%scan3A_662 = %scan3A_121) -> (i32)  : i32 {
      %mul3A_663 = arith.constant 4 : i32
      %mul3A_664 = arith.muli %mul3A_663, %scan3A_661 : i32
      %add3A_665 = arith.constant 0 : i32
      %add3A_666 = arith.addi %mul3A_664, %add3A_665 : i32
      %add3A_667 = arith.addi %and3A_13, %add3A_666 : i32
      %get3A_668 = arith.index_cast %add3A_667 : i32 to index
      %get3A_669 = arith.constant 0 : index
      %get3A_670 = tpu.vector_load %arg13[%get3A_668, %get3A_669] {strides = array<i32>} : memref<88x128xi32, #tpu.memory_space<vmem>>, vector<16xi32>,
      %shift_right_arithmetic3A_671 = arith.constant 3 : i32
      %shift_right_arithmetic3A_672 = vector.broadcast %shift_right_arithmetic3A_671 : i32 to vector<16xi32>
      %shift_right_arithmetic3A_673 = arith.shrsi %get3A_670, %shift_right_arithmetic3A_672 : vector<16xi32>
      %and3A_674 = arith.constant 7 : i32
      %and3A_675 = vector.broadcast %and3A_674 : i32 to vector<16xi32>
      %and3A_676 = arith.andi %get3A_670, %and3A_675 : vector<16xi32>
      %mul3A_677 = arith.constant 16 : i32
      %mul3A_678 = vector.broadcast %mul3A_677 : i32 to vector<16xi32>
      %mul3A_679 = arith.muli %and3A_676, %mul3A_678 : vector<16xi32>
      tpu.vector_store_idx %arg14[%shift_right_arithmetic3A_673, %mul3A_679], %add3A_120 {add = true} : memref<128x128xi32, #tpu.memory_space<vmem>>[vector<16xi32>, vector<16xi32>], vector<16xi32>,
      %add3A_680 = arith.addi %and3A_13, %add3A_666 : i32
      %get3A_681 = arith.index_cast %add3A_680 : i32 to index
      %get3A_682 = arith.constant 16 : index
      %get3A_683 = tpu.vector_load %arg13[%get3A_681, %get3A_682] {strides = array<i32>} : memref<88x128xi32, #tpu.memory_space<vmem>>, vector<16xi32>,
      %shift_right_arithmetic3A_684 = arith.constant 3 : i32
      %shift_right_arithmetic3A_685 = vector.broadcast %shift_right_arithmetic3A_684 : i32 to vector<16xi32>
      %shift_right_arithmetic3A_686 = arith.shrsi %get3A_683, %shift_right_arithmetic3A_685 : vector<16xi32>
      %and3A_687 = arith.constant 7 : i32
      %and3A_688 = vector.broadcast %and3A_687 : i32 to vector<16xi32>
      %and3A_689 = arith.andi %get3A_683, %and3A_688 : vector<16xi32>
      %mul3A_690 = arith.constant 16 : i32
      %mul3A_691 = vector.broadcast %mul3A_690 : i32 to vector<16xi32>
      %mul3A_692 = arith.muli %and3A_689, %mul3A_691 : vector<16xi32>
      tpu.vector_store_idx %arg14[%shift_right_arithmetic3A_686, %mul3A_692], %add3A_120 {add = true} : memref<128x128xi32, #tpu.memory_space<vmem>>[vector<16xi32>, vector<16xi32>], vector<16xi32>,
      %add3A_693 = arith.addi %and3A_13, %add3A_666 : i32
      %get3A_694 = arith.index_cast %add3A_693 : i32 to index
      %get3A_695 = arith.constant 32 : index
      %get3A_696 = tpu.vector_load %arg13[%get3A_694, %get3A_695] {strides = array<i32>} : memref<88x128xi32, #tpu.memory_space<vmem>>, vector<16xi32>,
      %shift_right_arithmetic3A_697 = arith.constant 3 : i32
      %shift_right_arithmetic3A_698 = vector.broadcast %shift_right_arithmetic3A_697 : i32 to vector<16xi32>
      %shift_right_arithmetic3A_699 = arith.shrsi %get3A_696, %shift_right_arithmetic3A_698 : vector<16xi32>
      %and3A_700 = arith.constant 7 : i32
      %and3A_701 = vector.broadcast %and3A_700 : i32 to vector<16xi32>
      %and3A_702 = arith.andi %get3A_696, %and3A_701 : vector<16xi32>
      %mul3A_703 = arith.constant 16 : i32
      %mul3A_704 = vector.broadcast %mul3A_703 : i32 to vector<16xi32>
      %mul3A_705 = arith.muli %and3A_702, %mul3A_704 : vector<16xi32>
      tpu.vector_store_idx %arg14[%shift_right_arithmetic3A_699, %mul3A_705], %add3A_120 {add = true} : memref<128x128xi32, #tpu.memory_space<vmem>>[vector<16xi32>, vector<16xi32>], vector<16xi32>,
      %add3A_706 = arith.addi %and3A_13, %add3A_666 : i32
      %get3A_707 = arith.index_cast %add3A_706 : i32 to index
      %get3A_708 = arith.constant 48 : index
      %get3A_709 = tpu.vector_load %arg13[%get3A_707, %get3A_708] {strides = array<i32>} : memref<88x128xi32, #tpu.memory_space<vmem>>, vector<16xi32>,
      %shift_right_arithmetic3A_710 = arith.constant 3 : i32
      %shift_right_arithmetic3A_711 = vector.broadcast %shift_right_arithmetic3A_710 : i32 to vector<16xi32>
      %shift_right_arithmetic3A_712 = arith.shrsi %get3A_709, %shift_right_arithmetic3A_711 : vector<16xi32>
      %and3A_713 = arith.constant 7 : i32
      %and3A_714 = vector.broadcast %and3A_713 : i32 to vector<16xi32>
      %and3A_715 = arith.andi %get3A_709, %and3A_714 : vector<16xi32>
      %mul3A_716 = arith.constant 16 : i32
      %mul3A_717 = vector.broadcast %mul3A_716 : i32 to vector<16xi32>
      %mul3A_718 = arith.muli %and3A_715, %mul3A_717 : vector<16xi32>
      tpu.vector_store_idx %arg14[%shift_right_arithmetic3A_712, %mul3A_718], %add3A_120 {add = true} : memref<128x128xi32, #tpu.memory_space<vmem>>[vector<16xi32>, vector<16xi32>], vector<16xi32>,
      %add3A_719 = arith.addi %and3A_13, %add3A_666 : i32
      %get3A_720 = arith.index_cast %add3A_719 : i32 to index
      %get3A_721 = arith.constant 64 : index
      %get3A_722 = tpu.vector_load %arg13[%get3A_720, %get3A_721] {strides = array<i32>} : memref<88x128xi32, #tpu.memory_space<vmem>>, vector<16xi32>,
      %shift_right_arithmetic3A_723 = arith.constant 3 : i32
      %shift_right_arithmetic3A_724 = vector.broadcast %shift_right_arithmetic3A_723 : i32 to vector<16xi32>
      %shift_right_arithmetic3A_725 = arith.shrsi %get3A_722, %shift_right_arithmetic3A_724 : vector<16xi32>
      %and3A_726 = arith.constant 7 : i32
      %and3A_727 = vector.broadcast %and3A_726 : i32 to vector<16xi32>
      %and3A_728 = arith.andi %get3A_722, %and3A_727 : vector<16xi32>
      %mul3A_729 = arith.constant 16 : i32
      %mul3A_730 = vector.broadcast %mul3A_729 : i32 to vector<16xi32>
      %mul3A_731 = arith.muli %and3A_728, %mul3A_730 : vector<16xi32>
      tpu.vector_store_idx %arg14[%shift_right_arithmetic3A_725, %mul3A_731], %add3A_120 {add = true} : memref<128x128xi32, #tpu.memory_space<vmem>>[vector<16xi32>, vector<16xi32>], vector<16xi32>,
      %add3A_732 = arith.addi %and3A_13, %add3A_666 : i32
      %get3A_733 = arith.index_cast %add3A_732 : i32 to index
      %get3A_734 = arith.constant 80 : index
      %get3A_735 = tpu.vector_load %arg13[%get3A_733, %get3A_734] {strides = array<i32>} : memref<88x128xi32, #tpu.memory_space<vmem>>, vector<16xi32>,
      %shift_right_arithmetic3A_736 = arith.constant 3 : i32
      %shift_right_arithmetic3A_737 = vector.broadcast %shift_right_arithmetic3A_736 : i32 to vector<16xi32>
      %shift_right_arithmetic3A_738 = arith.shrsi %get3A_735, %shift_right_arithmetic3A_737 : vector<16xi32>
      %and3A_739 = arith.constant 7 : i32
      %and3A_740 = vector.broadcast %and3A_739 : i32 to vector<16xi32>
      %and3A_741 = arith.andi %get3A_735, %and3A_740 : vector<16xi32>
      %mul3A_742 = arith.constant 16 : i32
      %mul3A_743 = vector.broadcast %mul3A_742 : i32 to vector<16xi32>
      %mul3A_744 = arith.muli %and3A_741, %mul3A_743 : vector<16xi32>
      tpu.vector_store_idx %arg14[%shift_right_arithmetic3A_738, %mul3A_744], %add3A_120 {add = true} : memref<128x128xi32, #tpu.memory_space<vmem>>[vector<16xi32>, vector<16xi32>], vector<16xi32>,
      %add3A_745 = arith.addi %and3A_13, %add3A_666 : i32
      %get3A_746 = arith.index_cast %add3A_745 : i32 to index
      %get3A_747 = arith.constant 96 : index
      %get3A_748 = tpu.vector_load %arg13[%get3A_746, %get3A_747] {strides = array<i32>} : memref<88x128xi32, #tpu.memory_space<vmem>>, vector<16xi32>,
      %shift_right_arithmetic3A_749 = arith.constant 3 : i32
      %shift_right_arithmetic3A_750 = vector.broadcast %shift_right_arithmetic3A_749 : i32 to vector<16xi32>
      %shift_right_arithmetic3A_751 = arith.shrsi %get3A_748, %shift_right_arithmetic3A_750 : vector<16xi32>
      %and3A_752 = arith.constant 7 : i32
      %and3A_753 = vector.broadcast %and3A_752 : i32 to vector<16xi32>
      %and3A_754 = arith.andi %get3A_748, %and3A_753 : vector<16xi32>
      %mul3A_755 = arith.constant 16 : i32
      %mul3A_756 = vector.broadcast %mul3A_755 : i32 to vector<16xi32>
      %mul3A_757 = arith.muli %and3A_754, %mul3A_756 : vector<16xi32>
      tpu.vector_store_idx %arg14[%shift_right_arithmetic3A_751, %mul3A_757], %add3A_120 {add = true} : memref<128x128xi32, #tpu.memory_space<vmem>>[vector<16xi32>, vector<16xi32>], vector<16xi32>,
      %add3A_758 = arith.addi %and3A_13, %add3A_666 : i32
      %get3A_759 = arith.index_cast %add3A_758 : i32 to index
      %get3A_760 = arith.constant 112 : index
      %get3A_761 = tpu.vector_load %arg13[%get3A_759, %get3A_760] {strides = array<i32>} : memref<88x128xi32, #tpu.memory_space<vmem>>, vector<16xi32>,
      %shift_right_arithmetic3A_762 = arith.constant 3 : i32
      %shift_right_arithmetic3A_763 = vector.broadcast %shift_right_arithmetic3A_762 : i32 to vector<16xi32>
      %shift_right_arithmetic3A_764 = arith.shrsi %get3A_761, %shift_right_arithmetic3A_763 : vector<16xi32>
      %and3A_765 = arith.constant 7 : i32
      %and3A_766 = vector.broadcast %and3A_765 : i32 to vector<16xi32>
      %and3A_767 = arith.andi %get3A_761, %and3A_766 : vector<16xi32>
      %mul3A_768 = arith.constant 16 : i32
      %mul3A_769 = vector.broadcast %mul3A_768 : i32 to vector<16xi32>
      %mul3A_770 = arith.muli %and3A_767, %mul3A_769 : vector<16xi32>
      tpu.vector_store_idx %arg14[%shift_right_arithmetic3A_764, %mul3A_770], %add3A_120 {add = true} : memref<128x128xi32, #tpu.memory_space<vmem>>[vector<16xi32>, vector<16xi32>], vector<16xi32>,
      %dma_wait3A_771 = arith.constant 0 : i32
      %dma_wait3A_772 = arith.constant 0 : i32
      %dma_wait3A_773 = tpu.memref_slice %arg2[%dma_wait3A_771, %dma_wait3A_772] : memref<320000x128xf32, #tpu.memory_space<hbm>> -> memref<128x128xf32, #tpu.memory_space<hbm>>
      %dma_wait3A_774 = arith.constant 0 : i32
      %dma_wait3A_775 = arith.constant 0 : i32
      %dma_wait3A_776 = tpu.memref_slice %arg2[%dma_wait3A_774, %dma_wait3A_775] : memref<320000x128xf32, #tpu.memory_space<hbm>> -> memref<128x128xf32, #tpu.memory_space<hbm>>
      tpu.wait_dma2 semaphore(%arg17 : memref<!tpu.dma_semaphore, #tpu.memory_space<semaphore_mem>>) src(%dma_wait3A_776 : memref<128x128xf32, #tpu.memory_space<hbm>>) dst(%arg8 : memref<128x128xf32, #tpu.memory_space<vmem>>)
      %add3A_777 = arith.constant 0 : i32
      %add3A_778 = arith.addi %mul3A_664, %add3A_777 : i32
      %dma_start3A_779 = arith.constant 0 : i32
      %dma_start3A_780 = tpu.memref_slice %arg12[%add3A_778, %dma_start3A_779] : memref<72x128xi32, #tpu.memory_space<vmem>> -> memref<1x128xi32, #tpu.memory_space<vmem>>
      %dma_start3A_781 = tpu.memref_squeeze %dma_start3A_780 : memref<1x128xi32, #tpu.memory_space<vmem>> -> memref<128xi32, #tpu.memory_space<vmem>>
      %dma_start3A_782 = arith.constant 0 : i32
      %dma_start3A_783 = arith.constant 0 : i32
      %dma_start3A_784 = tpu.memref_slice %arg6[%dma_start3A_782, %dma_start3A_783] : memref<1024x128xf32, #tpu.memory_space<vmem_shared>> -> memref<1024x128xf32, #tpu.memory_space<vmem_shared>>
      tpu.enqueue_indirect_dma source(%arg8 : memref<128x128xf32, #tpu.memory_space<vmem>>) target(%dma_start3A_784 : memref<1024x128xf32, #tpu.memory_space<vmem_shared>>) offsets(%dma_start3A_781 : memref<128xi32, #tpu.memory_space<vmem>>) semaphore(%arg21 : memref<!tpu.dma_semaphore, #tpu.memory_space<semaphore_mem>>) {add = true}
      %add3A_785 = arith.constant 1 : i32
      %add3A_786 = arith.addi %mul3A_664, %add3A_785 : i32
      %add3A_787 = arith.addi %and3A_13, %add3A_786 : i32
      %get3A_788 = arith.index_cast %add3A_787 : i32 to index
      %get3A_789 = arith.constant 0 : index
      %get3A_790 = tpu.vector_load %arg13[%get3A_788, %get3A_789] {strides = array<i32>} : memref<88x128xi32, #tpu.memory_space<vmem>>, vector<16xi32>,
      %shift_right_arithmetic3A_791 = arith.constant 3 : i32
      %shift_right_arithmetic3A_792 = vector.broadcast %shift_right_arithmetic3A_791 : i32 to vector<16xi32>
      %shift_right_arithmetic3A_793 = arith.shrsi %get3A_790, %shift_right_arithmetic3A_792 : vector<16xi32>
      %and3A_794 = arith.constant 7 : i32
      %and3A_795 = vector.broadcast %and3A_794 : i32 to vector<16xi32>
      %and3A_796 = arith.andi %get3A_790, %and3A_795 : vector<16xi32>
      %mul3A_797 = arith.constant 16 : i32
      %mul3A_798 = vector.broadcast %mul3A_797 : i32 to vector<16xi32>
      %mul3A_799 = arith.muli %and3A_796, %mul3A_798 : vector<16xi32>
      tpu.vector_store_idx %arg14[%shift_right_arithmetic3A_793, %mul3A_799], %add3A_120 {add = true} : memref<128x128xi32, #tpu.memory_space<vmem>>[vector<16xi32>, vector<16xi32>], vector<16xi32>,
      %add3A_800 = arith.addi %and3A_13, %add3A_786 : i32
      %get3A_801 = arith.index_cast %add3A_800 : i32 to index
      %get3A_802 = arith.constant 16 : index
      %get3A_803 = tpu.vector_load %arg13[%get3A_801, %get3A_802] {strides = array<i32>} : memref<88x128xi32, #tpu.memory_space<vmem>>, vector<16xi32>,
      %shift_right_arithmetic3A_804 = arith.constant 3 : i32
      %shift_right_arithmetic3A_805 = vector.broadcast %shift_right_arithmetic3A_804 : i32 to vector<16xi32>
      %shift_right_arithmetic3A_806 = arith.shrsi %get3A_803, %shift_right_arithmetic3A_805 : vector<16xi32>
      %and3A_807 = arith.constant 7 : i32
      %and3A_808 = vector.broadcast %and3A_807 : i32 to vector<16xi32>
      %and3A_809 = arith.andi %get3A_803, %and3A_808 : vector<16xi32>
      %mul3A_810 = arith.constant 16 : i32
      %mul3A_811 = vector.broadcast %mul3A_810 : i32 to vector<16xi32>
      %mul3A_812 = arith.muli %and3A_809, %mul3A_811 : vector<16xi32>
      tpu.vector_store_idx %arg14[%shift_right_arithmetic3A_806, %mul3A_812], %add3A_120 {add = true} : memref<128x128xi32, #tpu.memory_space<vmem>>[vector<16xi32>, vector<16xi32>], vector<16xi32>,
      %add3A_813 = arith.addi %and3A_13, %add3A_786 : i32
      %get3A_814 = arith.index_cast %add3A_813 : i32 to index
      %get3A_815 = arith.constant 32 : index
      %get3A_816 = tpu.vector_load %arg13[%get3A_814, %get3A_815] {strides = array<i32>} : memref<88x128xi32, #tpu.memory_space<vmem>>, vector<16xi32>,
      %shift_right_arithmetic3A_817 = arith.constant 3 : i32
      %shift_right_arithmetic3A_818 = vector.broadcast %shift_right_arithmetic3A_817 : i32 to vector<16xi32>
      %shift_right_arithmetic3A_819 = arith.shrsi %get3A_816, %shift_right_arithmetic3A_818 : vector<16xi32>
      %and3A_820 = arith.constant 7 : i32
      %and3A_821 = vector.broadcast %and3A_820 : i32 to vector<16xi32>
      %and3A_822 = arith.andi %get3A_816, %and3A_821 : vector<16xi32>
      %mul3A_823 = arith.constant 16 : i32
      %mul3A_824 = vector.broadcast %mul3A_823 : i32 to vector<16xi32>
      %mul3A_825 = arith.muli %and3A_822, %mul3A_824 : vector<16xi32>
      tpu.vector_store_idx %arg14[%shift_right_arithmetic3A_819, %mul3A_825], %add3A_120 {add = true} : memref<128x128xi32, #tpu.memory_space<vmem>>[vector<16xi32>, vector<16xi32>], vector<16xi32>,
      %add3A_826 = arith.addi %and3A_13, %add3A_786 : i32
      %get3A_827 = arith.index_cast %add3A_826 : i32 to index
      %get3A_828 = arith.constant 48 : index
      %get3A_829 = tpu.vector_load %arg13[%get3A_827, %get3A_828] {strides = array<i32>} : memref<88x128xi32, #tpu.memory_space<vmem>>, vector<16xi32>,
      %shift_right_arithmetic3A_830 = arith.constant 3 : i32
      %shift_right_arithmetic3A_831 = vector.broadcast %shift_right_arithmetic3A_830 : i32 to vector<16xi32>
      %shift_right_arithmetic3A_832 = arith.shrsi %get3A_829, %shift_right_arithmetic3A_831 : vector<16xi32>
      %and3A_833 = arith.constant 7 : i32
      %and3A_834 = vector.broadcast %and3A_833 : i32 to vector<16xi32>
      %and3A_835 = arith.andi %get3A_829, %and3A_834 : vector<16xi32>
      %mul3A_836 = arith.constant 16 : i32
      %mul3A_837 = vector.broadcast %mul3A_836 : i32 to vector<16xi32>
      %mul3A_838 = arith.muli %and3A_835, %mul3A_837 : vector<16xi32>
      tpu.vector_store_idx %arg14[%shift_right_arithmetic3A_832, %mul3A_838], %add3A_120 {add = true} : memref<128x128xi32, #tpu.memory_space<vmem>>[vector<16xi32>, vector<16xi32>], vector<16xi32>,
      %add3A_839 = arith.addi %and3A_13, %add3A_786 : i32
      %get3A_840 = arith.index_cast %add3A_839 : i32 to index
      %get3A_841 = arith.constant 64 : index
      %get3A_842 = tpu.vector_load %arg13[%get3A_840, %get3A_841] {strides = array<i32>} : memref<88x128xi32, #tpu.memory_space<vmem>>, vector<16xi32>,
      %shift_right_arithmetic3A_843 = arith.constant 3 : i32
      %shift_right_arithmetic3A_844 = vector.broadcast %shift_right_arithmetic3A_843 : i32 to vector<16xi32>
      %shift_right_arithmetic3A_845 = arith.shrsi %get3A_842, %shift_right_arithmetic3A_844 : vector<16xi32>
      %and3A_846 = arith.constant 7 : i32
      %and3A_847 = vector.broadcast %and3A_846 : i32 to vector<16xi32>
      %and3A_848 = arith.andi %get3A_842, %and3A_847 : vector<16xi32>
      %mul3A_849 = arith.constant 16 : i32
      %mul3A_850 = vector.broadcast %mul3A_849 : i32 to vector<16xi32>
      %mul3A_851 = arith.muli %and3A_848, %mul3A_850 : vector<16xi32>
      tpu.vector_store_idx %arg14[%shift_right_arithmetic3A_845, %mul3A_851], %add3A_120 {add = true} : memref<128x128xi32, #tpu.memory_space<vmem>>[vector<16xi32>, vector<16xi32>], vector<16xi32>,
      %add3A_852 = arith.addi %and3A_13, %add3A_786 : i32
      %get3A_853 = arith.index_cast %add3A_852 : i32 to index
      %get3A_854 = arith.constant 80 : index
      %get3A_855 = tpu.vector_load %arg13[%get3A_853, %get3A_854] {strides = array<i32>} : memref<88x128xi32, #tpu.memory_space<vmem>>, vector<16xi32>,
      %shift_right_arithmetic3A_856 = arith.constant 3 : i32
      %shift_right_arithmetic3A_857 = vector.broadcast %shift_right_arithmetic3A_856 : i32 to vector<16xi32>
      %shift_right_arithmetic3A_858 = arith.shrsi %get3A_855, %shift_right_arithmetic3A_857 : vector<16xi32>
      %and3A_859 = arith.constant 7 : i32
      %and3A_860 = vector.broadcast %and3A_859 : i32 to vector<16xi32>
      %and3A_861 = arith.andi %get3A_855, %and3A_860 : vector<16xi32>
      %mul3A_862 = arith.constant 16 : i32
      %mul3A_863 = vector.broadcast %mul3A_862 : i32 to vector<16xi32>
      %mul3A_864 = arith.muli %and3A_861, %mul3A_863 : vector<16xi32>
      tpu.vector_store_idx %arg14[%shift_right_arithmetic3A_858, %mul3A_864], %add3A_120 {add = true} : memref<128x128xi32, #tpu.memory_space<vmem>>[vector<16xi32>, vector<16xi32>], vector<16xi32>,
      %add3A_865 = arith.addi %and3A_13, %add3A_786 : i32
      %get3A_866 = arith.index_cast %add3A_865 : i32 to index
      %get3A_867 = arith.constant 96 : index
      %get3A_868 = tpu.vector_load %arg13[%get3A_866, %get3A_867] {strides = array<i32>} : memref<88x128xi32, #tpu.memory_space<vmem>>, vector<16xi32>,
      %shift_right_arithmetic3A_869 = arith.constant 3 : i32
      %shift_right_arithmetic3A_870 = vector.broadcast %shift_right_arithmetic3A_869 : i32 to vector<16xi32>
      %shift_right_arithmetic3A_871 = arith.shrsi %get3A_868, %shift_right_arithmetic3A_870 : vector<16xi32>
      %and3A_872 = arith.constant 7 : i32
      %and3A_873 = vector.broadcast %and3A_872 : i32 to vector<16xi32>
      %and3A_874 = arith.andi %get3A_868, %and3A_873 : vector<16xi32>
      %mul3A_875 = arith.constant 16 : i32
      %mul3A_876 = vector.broadcast %mul3A_875 : i32 to vector<16xi32>
      %mul3A_877 = arith.muli %and3A_874, %mul3A_876 : vector<16xi32>
      tpu.vector_store_idx %arg14[%shift_right_arithmetic3A_871, %mul3A_877], %add3A_120 {add = true} : memref<128x128xi32, #tpu.memory_space<vmem>>[vector<16xi32>, vector<16xi32>], vector<16xi32>,
      %add3A_878 = arith.addi %and3A_13, %add3A_786 : i32
      %get3A_879 = arith.index_cast %add3A_878 : i32 to index
      %get3A_880 = arith.constant 112 : index
      %get3A_881 = tpu.vector_load %arg13[%get3A_879, %get3A_880] {strides = array<i32>} : memref<88x128xi32, #tpu.memory_space<vmem>>, vector<16xi32>,
      %shift_right_arithmetic3A_882 = arith.constant 3 : i32
      %shift_right_arithmetic3A_883 = vector.broadcast %shift_right_arithmetic3A_882 : i32 to vector<16xi32>
      %shift_right_arithmetic3A_884 = arith.shrsi %get3A_881, %shift_right_arithmetic3A_883 : vector<16xi32>
      %and3A_885 = arith.constant 7 : i32
      %and3A_886 = vector.broadcast %and3A_885 : i32 to vector<16xi32>
      %and3A_887 = arith.andi %get3A_881, %and3A_886 : vector<16xi32>
      %mul3A_888 = arith.constant 16 : i32
      %mul3A_889 = vector.broadcast %mul3A_888 : i32 to vector<16xi32>
      %mul3A_890 = arith.muli %and3A_887, %mul3A_889 : vector<16xi32>
      tpu.vector_store_idx %arg14[%shift_right_arithmetic3A_884, %mul3A_890], %add3A_120 {add = true} : memref<128x128xi32, #tpu.memory_space<vmem>>[vector<16xi32>, vector<16xi32>], vector<16xi32>,
      %dma_wait3A_891 = arith.constant 0 : i32
      %dma_wait3A_892 = arith.constant 0 : i32
      %dma_wait3A_893 = tpu.memref_slice %arg2[%dma_wait3A_891, %dma_wait3A_892] : memref<320000x128xf32, #tpu.memory_space<hbm>> -> memref<128x128xf32, #tpu.memory_space<hbm>>
      %dma_wait3A_894 = arith.constant 0 : i32
      %dma_wait3A_895 = arith.constant 0 : i32
      %dma_wait3A_896 = tpu.memref_slice %arg2[%dma_wait3A_894, %dma_wait3A_895] : memref<320000x128xf32, #tpu.memory_space<hbm>> -> memref<128x128xf32, #tpu.memory_space<hbm>>
      tpu.wait_dma2 semaphore(%arg18 : memref<!tpu.dma_semaphore, #tpu.memory_space<semaphore_mem>>) src(%dma_wait3A_896 : memref<128x128xf32, #tpu.memory_space<hbm>>) dst(%arg9 : memref<128x128xf32, #tpu.memory_space<vmem>>)
      %add3A_897 = arith.constant 1 : i32
      %add3A_898 = arith.addi %mul3A_664, %add3A_897 : i32
      %dma_start3A_899 = arith.constant 0 : i32
      %dma_start3A_900 = tpu.memref_slice %arg12[%add3A_898, %dma_start3A_899] : memref<72x128xi32, #tpu.memory_space<vmem>> -> memref<1x128xi32, #tpu.memory_space<vmem>>
      %dma_start3A_901 = tpu.memref_squeeze %dma_start3A_900 : memref<1x128xi32, #tpu.memory_space<vmem>> -> memref<128xi32, #tpu.memory_space<vmem>>
      %dma_start3A_902 = arith.constant 0 : i32
      %dma_start3A_903 = arith.constant 0 : i32
      %dma_start3A_904 = tpu.memref_slice %arg6[%dma_start3A_902, %dma_start3A_903] : memref<1024x128xf32, #tpu.memory_space<vmem_shared>> -> memref<1024x128xf32, #tpu.memory_space<vmem_shared>>
      tpu.enqueue_indirect_dma source(%arg9 : memref<128x128xf32, #tpu.memory_space<vmem>>) target(%dma_start3A_904 : memref<1024x128xf32, #tpu.memory_space<vmem_shared>>) offsets(%dma_start3A_901 : memref<128xi32, #tpu.memory_space<vmem>>) semaphore(%arg22 : memref<!tpu.dma_semaphore, #tpu.memory_space<semaphore_mem>>) {add = true}
      %add3A_905 = arith.constant 2 : i32
      %add3A_906 = arith.addi %mul3A_664, %add3A_905 : i32
      %add3A_907 = arith.addi %and3A_13, %add3A_906 : i32
      %get3A_908 = arith.index_cast %add3A_907 : i32 to index
      %get3A_909 = arith.constant 0 : index
      %get3A_910 = tpu.vector_load %arg13[%get3A_908, %get3A_909] {strides = array<i32>} : memref<88x128xi32, #tpu.memory_space<vmem>>, vector<16xi32>,
      %shift_right_arithmetic3A_911 = arith.constant 3 : i32
      %shift_right_arithmetic3A_912 = vector.broadcast %shift_right_arithmetic3A_911 : i32 to vector<16xi32>
      %shift_right_arithmetic3A_913 = arith.shrsi %get3A_910, %shift_right_arithmetic3A_912 : vector<16xi32>
      %and3A_914 = arith.constant 7 : i32
      %and3A_915 = vector.broadcast %and3A_914 : i32 to vector<16xi32>
      %and3A_916 = arith.andi %get3A_910, %and3A_915 : vector<16xi32>
      %mul3A_917 = arith.constant 16 : i32
      %mul3A_918 = vector.broadcast %mul3A_917 : i32 to vector<16xi32>
      %mul3A_919 = arith.muli %and3A_916, %mul3A_918 : vector<16xi32>
      tpu.vector_store_idx %arg14[%shift_right_arithmetic3A_913, %mul3A_919], %add3A_120 {add = true} : memref<128x128xi32, #tpu.memory_space<vmem>>[vector<16xi32>, vector<16xi32>], vector<16xi32>,
      %add3A_920 = arith.addi %and3A_13, %add3A_906 : i32
      %get3A_921 = arith.index_cast %add3A_920 : i32 to index
      %get3A_922 = arith.constant 16 : index
      %get3A_923 = tpu.vector_load %arg13[%get3A_921, %get3A_922] {strides = array<i32>} : memref<88x128xi32, #tpu.memory_space<vmem>>, vector<16xi32>,
      %shift_right_arithmetic3A_924 = arith.constant 3 : i32
      %shift_right_arithmetic3A_925 = vector.broadcast %shift_right_arithmetic3A_924 : i32 to vector<16xi32>
      %shift_right_arithmetic3A_926 = arith.shrsi %get3A_923, %shift_right_arithmetic3A_925 : vector<16xi32>
      %and3A_927 = arith.constant 7 : i32
      %and3A_928 = vector.broadcast %and3A_927 : i32 to vector<16xi32>
      %and3A_929 = arith.andi %get3A_923, %and3A_928 : vector<16xi32>
      %mul3A_930 = arith.constant 16 : i32
      %mul3A_931 = vector.broadcast %mul3A_930 : i32 to vector<16xi32>
      %mul3A_932 = arith.muli %and3A_929, %mul3A_931 : vector<16xi32>
      tpu.vector_store_idx %arg14[%shift_right_arithmetic3A_926, %mul3A_932], %add3A_120 {add = true} : memref<128x128xi32, #tpu.memory_space<vmem>>[vector<16xi32>, vector<16xi32>], vector<16xi32>,
      %add3A_933 = arith.addi %and3A_13, %add3A_906 : i32
      %get3A_934 = arith.index_cast %add3A_933 : i32 to index
      %get3A_935 = arith.constant 32 : index
      %get3A_936 = tpu.vector_load %arg13[%get3A_934, %get3A_935] {strides = array<i32>} : memref<88x128xi32, #tpu.memory_space<vmem>>, vector<16xi32>,
      %shift_right_arithmetic3A_937 = arith.constant 3 : i32
      %shift_right_arithmetic3A_938 = vector.broadcast %shift_right_arithmetic3A_937 : i32 to vector<16xi32>
      %shift_right_arithmetic3A_939 = arith.shrsi %get3A_936, %shift_right_arithmetic3A_938 : vector<16xi32>
      %and3A_940 = arith.constant 7 : i32
      %and3A_941 = vector.broadcast %and3A_940 : i32 to vector<16xi32>
      %and3A_942 = arith.andi %get3A_936, %and3A_941 : vector<16xi32>
      %mul3A_943 = arith.constant 16 : i32
      %mul3A_944 = vector.broadcast %mul3A_943 : i32 to vector<16xi32>
      %mul3A_945 = arith.muli %and3A_942, %mul3A_944 : vector<16xi32>
      tpu.vector_store_idx %arg14[%shift_right_arithmetic3A_939, %mul3A_945], %add3A_120 {add = true} : memref<128x128xi32, #tpu.memory_space<vmem>>[vector<16xi32>, vector<16xi32>], vector<16xi32>,
      %add3A_946 = arith.addi %and3A_13, %add3A_906 : i32
      %get3A_947 = arith.index_cast %add3A_946 : i32 to index
      %get3A_948 = arith.constant 48 : index
      %get3A_949 = tpu.vector_load %arg13[%get3A_947, %get3A_948] {strides = array<i32>} : memref<88x128xi32, #tpu.memory_space<vmem>>, vector<16xi32>,
      %shift_right_arithmetic3A_950 = arith.constant 3 : i32
      %shift_right_arithmetic3A_951 = vector.broadcast %shift_right_arithmetic3A_950 : i32 to vector<16xi32>
      %shift_right_arithmetic3A_952 = arith.shrsi %get3A_949, %shift_right_arithmetic3A_951 : vector<16xi32>
      %and3A_953 = arith.constant 7 : i32
      %and3A_954 = vector.broadcast %and3A_953 : i32 to vector<16xi32>
      %and3A_955 = arith.andi %get3A_949, %and3A_954 : vector<16xi32>
      %mul3A_956 = arith.constant 16 : i32
      %mul3A_957 = vector.broadcast %mul3A_956 : i32 to vector<16xi32>
      %mul3A_958 = arith.muli %and3A_955, %mul3A_957 : vector<16xi32>
      tpu.vector_store_idx %arg14[%shift_right_arithmetic3A_952, %mul3A_958], %add3A_120 {add = true} : memref<128x128xi32, #tpu.memory_space<vmem>>[vector<16xi32>, vector<16xi32>], vector<16xi32>,
      %add3A_959 = arith.addi %and3A_13, %add3A_906 : i32
      %get3A_960 = arith.index_cast %add3A_959 : i32 to index
      %get3A_961 = arith.constant 64 : index
      %get3A_962 = tpu.vector_load %arg13[%get3A_960, %get3A_961] {strides = array<i32>} : memref<88x128xi32, #tpu.memory_space<vmem>>, vector<16xi32>,
      %shift_right_arithmetic3A_963 = arith.constant 3 : i32
      %shift_right_arithmetic3A_964 = vector.broadcast %shift_right_arithmetic3A_963 : i32 to vector<16xi32>
      %shift_right_arithmetic3A_965 = arith.shrsi %get3A_962, %shift_right_arithmetic3A_964 : vector<16xi32>
      %and3A_966 = arith.constant 7 : i32
      %and3A_967 = vector.broadcast %and3A_966 : i32 to vector<16xi32>
      %and3A_968 = arith.andi %get3A_962, %and3A_967 : vector<16xi32>
      %mul3A_969 = arith.constant 16 : i32
      %mul3A_970 = vector.broadcast %mul3A_969 : i32 to vector<16xi32>
      %mul3A_971 = arith.muli %and3A_968, %mul3A_970 : vector<16xi32>
      tpu.vector_store_idx %arg14[%shift_right_arithmetic3A_965, %mul3A_971], %add3A_120 {add = true} : memref<128x128xi32, #tpu.memory_space<vmem>>[vector<16xi32>, vector<16xi32>], vector<16xi32>,
      %add3A_972 = arith.addi %and3A_13, %add3A_906 : i32
      %get3A_973 = arith.index_cast %add3A_972 : i32 to index
      %get3A_974 = arith.constant 80 : index
      %get3A_975 = tpu.vector_load %arg13[%get3A_973, %get3A_974] {strides = array<i32>} : memref<88x128xi32, #tpu.memory_space<vmem>>, vector<16xi32>,
      %shift_right_arithmetic3A_976 = arith.constant 3 : i32
      %shift_right_arithmetic3A_977 = vector.broadcast %shift_right_arithmetic3A_976 : i32 to vector<16xi32>
      %shift_right_arithmetic3A_978 = arith.shrsi %get3A_975, %shift_right_arithmetic3A_977 : vector<16xi32>
      %and3A_979 = arith.constant 7 : i32
      %and3A_980 = vector.broadcast %and3A_979 : i32 to vector<16xi32>
      %and3A_981 = arith.andi %get3A_975, %and3A_980 : vector<16xi32>
      %mul3A_982 = arith.constant 16 : i32
      %mul3A_983 = vector.broadcast %mul3A_982 : i32 to vector<16xi32>
      %mul3A_984 = arith.muli %and3A_981, %mul3A_983 : vector<16xi32>
      tpu.vector_store_idx %arg14[%shift_right_arithmetic3A_978, %mul3A_984], %add3A_120 {add = true} : memref<128x128xi32, #tpu.memory_space<vmem>>[vector<16xi32>, vector<16xi32>], vector<16xi32>,
      %add3A_985 = arith.addi %and3A_13, %add3A_906 : i32
      %get3A_986 = arith.index_cast %add3A_985 : i32 to index
      %get3A_987 = arith.constant 96 : index
      %get3A_988 = tpu.vector_load %arg13[%get3A_986, %get3A_987] {strides = array<i32>} : memref<88x128xi32, #tpu.memory_space<vmem>>, vector<16xi32>,
      %shift_right_arithmetic3A_989 = arith.constant 3 : i32
      %shift_right_arithmetic3A_990 = vector.broadcast %shift_right_arithmetic3A_989 : i32 to vector<16xi32>
      %shift_right_arithmetic3A_991 = arith.shrsi %get3A_988, %shift_right_arithmetic3A_990 : vector<16xi32>
      %and3A_992 = arith.constant 7 : i32
      %and3A_993 = vector.broadcast %and3A_992 : i32 to vector<16xi32>
      %and3A_994 = arith.andi %get3A_988, %and3A_993 : vector<16xi32>
      %mul3A_995 = arith.constant 16 : i32
      %mul3A_996 = vector.broadcast %mul3A_995 : i32 to vector<16xi32>
      %mul3A_997 = arith.muli %and3A_994, %mul3A_996 : vector<16xi32>
      tpu.vector_store_idx %arg14[%shift_right_arithmetic3A_991, %mul3A_997], %add3A_120 {add = true} : memref<128x128xi32, #tpu.memory_space<vmem>>[vector<16xi32>, vector<16xi32>], vector<16xi32>,
      %add3A_998 = arith.addi %and3A_13, %add3A_906 : i32
      %get3A_999 = arith.index_cast %add3A_998 : i32 to index
      %get3A_1000 = arith.constant 112 : index
      %get3A_1001 = tpu.vector_load %arg13[%get3A_999, %get3A_1000] {strides = array<i32>} : memref<88x128xi32, #tpu.memory_space<vmem>>, vector<16xi32>,
      %shift_right_arithmetic3A_1002 = arith.constant 3 : i32
      %shift_right_arithmetic3A_1003 = vector.broadcast %shift_right_arithmetic3A_1002 : i32 to vector<16xi32>
      %shift_right_arithmetic3A_1004 = arith.shrsi %get3A_1001, %shift_right_arithmetic3A_1003 : vector<16xi32>
      %and3A_1005 = arith.constant 7 : i32
      %and3A_1006 = vector.broadcast %and3A_1005 : i32 to vector<16xi32>
      %and3A_1007 = arith.andi %get3A_1001, %and3A_1006 : vector<16xi32>
      %mul3A_1008 = arith.constant 16 : i32
      %mul3A_1009 = vector.broadcast %mul3A_1008 : i32 to vector<16xi32>
      %mul3A_1010 = arith.muli %and3A_1007, %mul3A_1009 : vector<16xi32>
      tpu.vector_store_idx %arg14[%shift_right_arithmetic3A_1004, %mul3A_1010], %add3A_120 {add = true} : memref<128x128xi32, #tpu.memory_space<vmem>>[vector<16xi32>, vector<16xi32>], vector<16xi32>,
      %dma_wait3A_1011 = arith.constant 0 : i32
      %dma_wait3A_1012 = arith.constant 0 : i32
      %dma_wait3A_1013 = tpu.memref_slice %arg2[%dma_wait3A_1011, %dma_wait3A_1012] : memref<320000x128xf32, #tpu.memory_space<hbm>> -> memref<128x128xf32, #tpu.memory_space<hbm>>
      %dma_wait3A_1014 = arith.constant 0 : i32
      %dma_wait3A_1015 = arith.constant 0 : i32
      %dma_wait3A_1016 = tpu.memref_slice %arg2[%dma_wait3A_1014, %dma_wait3A_1015] : memref<320000x128xf32, #tpu.memory_space<hbm>> -> memref<128x128xf32, #tpu.memory_space<hbm>>
      tpu.wait_dma2 semaphore(%arg19 : memref<!tpu.dma_semaphore, #tpu.memory_space<semaphore_mem>>) src(%dma_wait3A_1016 : memref<128x128xf32, #tpu.memory_space<hbm>>) dst(%arg10 : memref<128x128xf32, #tpu.memory_space<vmem>>)
      %add3A_1017 = arith.constant 2 : i32
      %add3A_1018 = arith.addi %mul3A_664, %add3A_1017 : i32
      %dma_start3A_1019 = arith.constant 0 : i32
      %dma_start3A_1020 = tpu.memref_slice %arg12[%add3A_1018, %dma_start3A_1019] : memref<72x128xi32, #tpu.memory_space<vmem>> -> memref<1x128xi32, #tpu.memory_space<vmem>>
      %dma_start3A_1021 = tpu.memref_squeeze %dma_start3A_1020 : memref<1x128xi32, #tpu.memory_space<vmem>> -> memref<128xi32, #tpu.memory_space<vmem>>
      %dma_start3A_1022 = arith.constant 0 : i32
      %dma_start3A_1023 = arith.constant 0 : i32
      %dma_start3A_1024 = tpu.memref_slice %arg6[%dma_start3A_1022, %dma_start3A_1023] : memref<1024x128xf32, #tpu.memory_space<vmem_shared>> -> memref<1024x128xf32, #tpu.memory_space<vmem_shared>>
      tpu.enqueue_indirect_dma source(%arg10 : memref<128x128xf32, #tpu.memory_space<vmem>>) target(%dma_start3A_1024 : memref<1024x128xf32, #tpu.memory_space<vmem_shared>>) offsets(%dma_start3A_1021 : memref<128xi32, #tpu.memory_space<vmem>>) semaphore(%arg23 : memref<!tpu.dma_semaphore, #tpu.memory_space<semaphore_mem>>) {add = true}
      %add3A_1025 = arith.constant 3 : i32
      %add3A_1026 = arith.addi %mul3A_664, %add3A_1025 : i32
      %add3A_1027 = arith.addi %and3A_13, %add3A_1026 : i32
      %get3A_1028 = arith.index_cast %add3A_1027 : i32 to index
      %get3A_1029 = arith.constant 0 : index
      %get3A_1030 = tpu.vector_load %arg13[%get3A_1028, %get3A_1029] {strides = array<i32>} : memref<88x128xi32, #tpu.memory_space<vmem>>, vector<16xi32>,
      %shift_right_arithmetic3A_1031 = arith.constant 3 : i32
      %shift_right_arithmetic3A_1032 = vector.broadcast %shift_right_arithmetic3A_1031 : i32 to vector<16xi32>
      %shift_right_arithmetic3A_1033 = arith.shrsi %get3A_1030, %shift_right_arithmetic3A_1032 : vector<16xi32>
      %and3A_1034 = arith.constant 7 : i32
      %and3A_1035 = vector.broadcast %and3A_1034 : i32 to vector<16xi32>
      %and3A_1036 = arith.andi %get3A_1030, %and3A_1035 : vector<16xi32>
      %mul3A_1037 = arith.constant 16 : i32
      %mul3A_1038 = vector.broadcast %mul3A_1037 : i32 to vector<16xi32>
      %mul3A_1039 = arith.muli %and3A_1036, %mul3A_1038 : vector<16xi32>
      tpu.vector_store_idx %arg14[%shift_right_arithmetic3A_1033, %mul3A_1039], %add3A_120 {add = true} : memref<128x128xi32, #tpu.memory_space<vmem>>[vector<16xi32>, vector<16xi32>], vector<16xi32>,
      %add3A_1040 = arith.addi %and3A_13, %add3A_1026 : i32
      %get3A_1041 = arith.index_cast %add3A_1040 : i32 to index
      %get3A_1042 = arith.constant 16 : index
      %get3A_1043 = tpu.vector_load %arg13[%get3A_1041, %get3A_1042] {strides = array<i32>} : memref<88x128xi32, #tpu.memory_space<vmem>>, vector<16xi32>,
      %shift_right_arithmetic3A_1044 = arith.constant 3 : i32
      %shift_right_arithmetic3A_1045 = vector.broadcast %shift_right_arithmetic3A_1044 : i32 to vector<16xi32>
      %shift_right_arithmetic3A_1046 = arith.shrsi %get3A_1043, %shift_right_arithmetic3A_1045 : vector<16xi32>
      %and3A_1047 = arith.constant 7 : i32
      %and3A_1048 = vector.broadcast %and3A_1047 : i32 to vector<16xi32>
      %and3A_1049 = arith.andi %get3A_1043, %and3A_1048 : vector<16xi32>
      %mul3A_1050 = arith.constant 16 : i32
      %mul3A_1051 = vector.broadcast %mul3A_1050 : i32 to vector<16xi32>
      %mul3A_1052 = arith.muli %and3A_1049, %mul3A_1051 : vector<16xi32>
      tpu.vector_store_idx %arg14[%shift_right_arithmetic3A_1046, %mul3A_1052], %add3A_120 {add = true} : memref<128x128xi32, #tpu.memory_space<vmem>>[vector<16xi32>, vector<16xi32>], vector<16xi32>,
      %add3A_1053 = arith.addi %and3A_13, %add3A_1026 : i32
      %get3A_1054 = arith.index_cast %add3A_1053 : i32 to index
      %get3A_1055 = arith.constant 32 : index
      %get3A_1056 = tpu.vector_load %arg13[%get3A_1054, %get3A_1055] {strides = array<i32>} : memref<88x128xi32, #tpu.memory_space<vmem>>, vector<16xi32>,
      %shift_right_arithmetic3A_1057 = arith.constant 3 : i32
      %shift_right_arithmetic3A_1058 = vector.broadcast %shift_right_arithmetic3A_1057 : i32 to vector<16xi32>
      %shift_right_arithmetic3A_1059 = arith.shrsi %get3A_1056, %shift_right_arithmetic3A_1058 : vector<16xi32>
      %and3A_1060 = arith.constant 7 : i32
      %and3A_1061 = vector.broadcast %and3A_1060 : i32 to vector<16xi32>
      %and3A_1062 = arith.andi %get3A_1056, %and3A_1061 : vector<16xi32>
      %mul3A_1063 = arith.constant 16 : i32
      %mul3A_1064 = vector.broadcast %mul3A_1063 : i32 to vector<16xi32>
      %mul3A_1065 = arith.muli %and3A_1062, %mul3A_1064 : vector<16xi32>
      tpu.vector_store_idx %arg14[%shift_right_arithmetic3A_1059, %mul3A_1065], %add3A_120 {add = true} : memref<128x128xi32, #tpu.memory_space<vmem>>[vector<16xi32>, vector<16xi32>], vector<16xi32>,
      %add3A_1066 = arith.addi %and3A_13, %add3A_1026 : i32
      %get3A_1067 = arith.index_cast %add3A_1066 : i32 to index
      %get3A_1068 = arith.constant 48 : index
      %get3A_1069 = tpu.vector_load %arg13[%get3A_1067, %get3A_1068] {strides = array<i32>} : memref<88x128xi32, #tpu.memory_space<vmem>>, vector<16xi32>,
      %shift_right_arithmetic3A_1070 = arith.constant 3 : i32
      %shift_right_arithmetic3A_1071 = vector.broadcast %shift_right_arithmetic3A_1070 : i32 to vector<16xi32>
      %shift_right_arithmetic3A_1072 = arith.shrsi %get3A_1069, %shift_right_arithmetic3A_1071 : vector<16xi32>
      %and3A_1073 = arith.constant 7 : i32
      %and3A_1074 = vector.broadcast %and3A_1073 : i32 to vector<16xi32>
      %and3A_1075 = arith.andi %get3A_1069, %and3A_1074 : vector<16xi32>
      %mul3A_1076 = arith.constant 16 : i32
      %mul3A_1077 = vector.broadcast %mul3A_1076 : i32 to vector<16xi32>
      %mul3A_1078 = arith.muli %and3A_1075, %mul3A_1077 : vector<16xi32>
      tpu.vector_store_idx %arg14[%shift_right_arithmetic3A_1072, %mul3A_1078], %add3A_120 {add = true} : memref<128x128xi32, #tpu.memory_space<vmem>>[vector<16xi32>, vector<16xi32>], vector<16xi32>,
      %add3A_1079 = arith.addi %and3A_13, %add3A_1026 : i32
      %get3A_1080 = arith.index_cast %add3A_1079 : i32 to index
      %get3A_1081 = arith.constant 64 : index
      %get3A_1082 = tpu.vector_load %arg13[%get3A_1080, %get3A_1081] {strides = array<i32>} : memref<88x128xi32, #tpu.memory_space<vmem>>, vector<16xi32>,
      %shift_right_arithmetic3A_1083 = arith.constant 3 : i32
      %shift_right_arithmetic3A_1084 = vector.broadcast %shift_right_arithmetic3A_1083 : i32 to vector<16xi32>
      %shift_right_arithmetic3A_1085 = arith.shrsi %get3A_1082, %shift_right_arithmetic3A_1084 : vector<16xi32>
      %and3A_1086 = arith.constant 7 : i32
      %and3A_1087 = vector.broadcast %and3A_1086 : i32 to vector<16xi32>
      %and3A_1088 = arith.andi %get3A_1082, %and3A_1087 : vector<16xi32>
      %mul3A_1089 = arith.constant 16 : i32
      %mul3A_1090 = vector.broadcast %mul3A_1089 : i32 to vector<16xi32>
      %mul3A_1091 = arith.muli %and3A_1088, %mul3A_1090 : vector<16xi32>
      tpu.vector_store_idx %arg14[%shift_right_arithmetic3A_1085, %mul3A_1091], %add3A_120 {add = true} : memref<128x128xi32, #tpu.memory_space<vmem>>[vector<16xi32>, vector<16xi32>], vector<16xi32>,
      %add3A_1092 = arith.addi %and3A_13, %add3A_1026 : i32
      %get3A_1093 = arith.index_cast %add3A_1092 : i32 to index
      %get3A_1094 = arith.constant 80 : index
      %get3A_1095 = tpu.vector_load %arg13[%get3A_1093, %get3A_1094] {strides = array<i32>} : memref<88x128xi32, #tpu.memory_space<vmem>>, vector<16xi32>,
      %shift_right_arithmetic3A_1096 = arith.constant 3 : i32
      %shift_right_arithmetic3A_1097 = vector.broadcast %shift_right_arithmetic3A_1096 : i32 to vector<16xi32>
      %shift_right_arithmetic3A_1098 = arith.shrsi %get3A_1095, %shift_right_arithmetic3A_1097 : vector<16xi32>
      %and3A_1099 = arith.constant 7 : i32
      %and3A_1100 = vector.broadcast %and3A_1099 : i32 to vector<16xi32>
      %and3A_1101 = arith.andi %get3A_1095, %and3A_1100 : vector<16xi32>
      %mul3A_1102 = arith.constant 16 : i32
      %mul3A_1103 = vector.broadcast %mul3A_1102 : i32 to vector<16xi32>
      %mul3A_1104 = arith.muli %and3A_1101, %mul3A_1103 : vector<16xi32>
      tpu.vector_store_idx %arg14[%shift_right_arithmetic3A_1098, %mul3A_1104], %add3A_120 {add = true} : memref<128x128xi32, #tpu.memory_space<vmem>>[vector<16xi32>, vector<16xi32>], vector<16xi32>,
      %add3A_1105 = arith.addi %and3A_13, %add3A_1026 : i32
      %get3A_1106 = arith.index_cast %add3A_1105 : i32 to index
      %get3A_1107 = arith.constant 96 : index
      %get3A_1108 = tpu.vector_load %arg13[%get3A_1106, %get3A_1107] {strides = array<i32>} : memref<88x128xi32, #tpu.memory_space<vmem>>, vector<16xi32>,
      %shift_right_arithmetic3A_1109 = arith.constant 3 : i32
      %shift_right_arithmetic3A_1110 = vector.broadcast %shift_right_arithmetic3A_1109 : i32 to vector<16xi32>
      %shift_right_arithmetic3A_1111 = arith.shrsi %get3A_1108, %shift_right_arithmetic3A_1110 : vector<16xi32>
      %and3A_1112 = arith.constant 7 : i32
      %and3A_1113 = vector.broadcast %and3A_1112 : i32 to vector<16xi32>
      %and3A_1114 = arith.andi %get3A_1108, %and3A_1113 : vector<16xi32>
      %mul3A_1115 = arith.constant 16 : i32
      %mul3A_1116 = vector.broadcast %mul3A_1115 : i32 to vector<16xi32>
      %mul3A_1117 = arith.muli %and3A_1114, %mul3A_1116 : vector<16xi32>
      tpu.vector_store_idx %arg14[%shift_right_arithmetic3A_1111, %mul3A_1117], %add3A_120 {add = true} : memref<128x128xi32, #tpu.memory_space<vmem>>[vector<16xi32>, vector<16xi32>], vector<16xi32>,
      %add3A_1118 = arith.addi %and3A_13, %add3A_1026 : i32
      %get3A_1119 = arith.index_cast %add3A_1118 : i32 to index
      %get3A_1120 = arith.constant 112 : index
      %get3A_1121 = tpu.vector_load %arg13[%get3A_1119, %get3A_1120] {strides = array<i32>} : memref<88x128xi32, #tpu.memory_space<vmem>>, vector<16xi32>,
      %shift_right_arithmetic3A_1122 = arith.constant 3 : i32
      %shift_right_arithmetic3A_1123 = vector.broadcast %shift_right_arithmetic3A_1122 : i32 to vector<16xi32>
      %shift_right_arithmetic3A_1124 = arith.shrsi %get3A_1121, %shift_right_arithmetic3A_1123 : vector<16xi32>
      %and3A_1125 = arith.constant 7 : i32
      %and3A_1126 = vector.broadcast %and3A_1125 : i32 to vector<16xi32>
      %and3A_1127 = arith.andi %get3A_1121, %and3A_1126 : vector<16xi32>
      %mul3A_1128 = arith.constant 16 : i32
      %mul3A_1129 = vector.broadcast %mul3A_1128 : i32 to vector<16xi32>
      %mul3A_1130 = arith.muli %and3A_1127, %mul3A_1129 : vector<16xi32>
      tpu.vector_store_idx %arg14[%shift_right_arithmetic3A_1124, %mul3A_1130], %add3A_120 {add = true} : memref<128x128xi32, #tpu.memory_space<vmem>>[vector<16xi32>, vector<16xi32>], vector<16xi32>,
      %dma_wait3A_1131 = arith.constant 0 : i32
      %dma_wait3A_1132 = arith.constant 0 : i32
      %dma_wait3A_1133 = tpu.memref_slice %arg2[%dma_wait3A_1131, %dma_wait3A_1132] : memref<320000x128xf32, #tpu.memory_space<hbm>> -> memref<128x128xf32, #tpu.memory_space<hbm>>
      %dma_wait3A_1134 = arith.constant 0 : i32
      %dma_wait3A_1135 = arith.constant 0 : i32
      %dma_wait3A_1136 = tpu.memref_slice %arg2[%dma_wait3A_1134, %dma_wait3A_1135] : memref<320000x128xf32, #tpu.memory_space<hbm>> -> memref<128x128xf32, #tpu.memory_space<hbm>>
      tpu.wait_dma2 semaphore(%arg20 : memref<!tpu.dma_semaphore, #tpu.memory_space<semaphore_mem>>) src(%dma_wait3A_1136 : memref<128x128xf32, #tpu.memory_space<hbm>>) dst(%arg11 : memref<128x128xf32, #tpu.memory_space<vmem>>)
      %add3A_1137 = arith.constant 3 : i32
      %add3A_1138 = arith.addi %mul3A_664, %add3A_1137 : i32
      %dma_start3A_1139 = arith.constant 0 : i32
      %dma_start3A_1140 = tpu.memref_slice %arg12[%add3A_1138, %dma_start3A_1139] : memref<72x128xi32, #tpu.memory_space<vmem>> -> memref<1x128xi32, #tpu.memory_space<vmem>>
      %dma_start3A_1141 = tpu.memref_squeeze %dma_start3A_1140 : memref<1x128xi32, #tpu.memory_space<vmem>> -> memref<128xi32, #tpu.memory_space<vmem>>
      %dma_start3A_1142 = arith.constant 0 : i32
      %dma_start3A_1143 = arith.constant 0 : i32
      %dma_start3A_1144 = tpu.memref_slice %arg6[%dma_start3A_1142, %dma_start3A_1143] : memref<1024x128xf32, #tpu.memory_space<vmem_shared>> -> memref<1024x128xf32, #tpu.memory_space<vmem_shared>>
      tpu.enqueue_indirect_dma source(%arg11 : memref<128x128xf32, #tpu.memory_space<vmem>>) target(%dma_start3A_1144 : memref<1024x128xf32, #tpu.memory_space<vmem_shared>>) offsets(%dma_start3A_1141 : memref<128xi32, #tpu.memory_space<vmem>>) semaphore(%arg24 : memref<!tpu.dma_semaphore, #tpu.memory_space<semaphore_mem>>) {add = true}
      %dma_wait3A_1145 = arith.constant 0 : i32
      %dma_wait3A_1146 = arith.constant 0 : i32
      %dma_wait3A_1147 = tpu.memref_slice %arg2[%dma_wait3A_1145, %dma_wait3A_1146] : memref<320000x128xf32, #tpu.memory_space<hbm>> -> memref<128x128xf32, #tpu.memory_space<hbm>>
      %dma_wait3A_1148 = arith.constant 0 : i32
      %dma_wait3A_1149 = arith.constant 0 : i32
      %dma_wait3A_1150 = tpu.memref_slice %arg2[%dma_wait3A_1148, %dma_wait3A_1149] : memref<320000x128xf32, #tpu.memory_space<hbm>> -> memref<128x128xf32, #tpu.memory_space<hbm>>
      tpu.wait_dma2 semaphore(%arg21 : memref<!tpu.dma_semaphore, #tpu.memory_space<semaphore_mem>>) src(%dma_wait3A_1150 : memref<128x128xf32, #tpu.memory_space<hbm>>) dst(%arg8 : memref<128x128xf32, #tpu.memory_space<vmem>>)
      %add3A_1151 = arith.constant 0 : i32
      %add3A_1152 = arith.addi %mul3A_664, %add3A_1151 : i32
      %add3A_1153 = arith.constant 4 : i32
      %add3A_1154 = arith.addi %add3A_1152, %add3A_1153 : i32
      %add3A_1155 = arith.addi %multiple_of3A, %add3A_1154 : i32
      %mul3A_1156 = arith.constant 128 : i32
      %mul3A_1157 = arith.muli %add3A_1155, %mul3A_1156 : i32
      %dma_start3A_1158 = arith.constant 0 : i32
      %dma_start3A_1159 = tpu.memref_slice %arg2[%mul3A_1157, %dma_start3A_1158] : memref<320000x128xf32, #tpu.memory_space<hbm>> -> memref<128x128xf32, #tpu.memory_space<hbm>>
      %dma_start3A_1160 = arith.constant 0 : i32
      %dma_start3A_1161 = tpu.memref_slice %arg2[%mul3A_1157, %dma_start3A_1160] : memref<320000x128xf32, #tpu.memory_space<hbm>> -> memref<128x128xf32, #tpu.memory_space<hbm>>
      tpu.enqueue_dma source(%dma_start3A_1161 : memref<128x128xf32, #tpu.memory_space<hbm>>) target(%arg8 : memref<128x128xf32, #tpu.memory_space<vmem>>) target_semaphore(%arg17 : memref<!tpu.dma_semaphore, #tpu.memory_space<semaphore_mem>>)
      %dma_wait3A_1162 = arith.constant 0 : i32
      %dma_wait3A_1163 = arith.constant 0 : i32
      %dma_wait3A_1164 = tpu.memref_slice %arg2[%dma_wait3A_1162, %dma_wait3A_1163] : memref<320000x128xf32, #tpu.memory_space<hbm>> -> memref<128x128xf32, #tpu.memory_space<hbm>>
      %dma_wait3A_1165 = arith.constant 0 : i32
      %dma_wait3A_1166 = arith.constant 0 : i32
      %dma_wait3A_1167 = tpu.memref_slice %arg2[%dma_wait3A_1165, %dma_wait3A_1166] : memref<320000x128xf32, #tpu.memory_space<hbm>> -> memref<128x128xf32, #tpu.memory_space<hbm>>
      tpu.wait_dma2 semaphore(%arg22 : memref<!tpu.dma_semaphore, #tpu.memory_space<semaphore_mem>>) src(%dma_wait3A_1167 : memref<128x128xf32, #tpu.memory_space<hbm>>) dst(%arg9 : memref<128x128xf32, #tpu.memory_space<vmem>>)
      %add3A_1168 = arith.constant 1 : i32
      %add3A_1169 = arith.addi %mul3A_664, %add3A_1168 : i32
      %add3A_1170 = arith.constant 4 : i32
      %add3A_1171 = arith.addi %add3A_1169, %add3A_1170 : i32
      %add3A_1172 = arith.addi %multiple_of3A, %add3A_1171 : i32
      %mul3A_1173 = arith.constant 128 : i32
      %mul3A_1174 = arith.muli %add3A_1172, %mul3A_1173 : i32
      %dma_start3A_1175 = arith.constant 0 : i32
      %dma_start3A_1176 = tpu.memref_slice %arg2[%mul3A_1174, %dma_start3A_1175] : memref<320000x128xf32, #tpu.memory_space<hbm>> -> memref<128x128xf32, #tpu.memory_space<hbm>>
      %dma_start3A_1177 = arith.constant 0 : i32
      %dma_start3A_1178 = tpu.memref_slice %arg2[%mul3A_1174, %dma_start3A_1177] : memref<320000x128xf32, #tpu.memory_space<hbm>> -> memref<128x128xf32, #tpu.memory_space<hbm>>
      tpu.enqueue_dma source(%dma_start3A_1178 : memref<128x128xf32, #tpu.memory_space<hbm>>) target(%arg9 : memref<128x128xf32, #tpu.memory_space<vmem>>) target_semaphore(%arg18 : memref<!tpu.dma_semaphore, #tpu.memory_space<semaphore_mem>>)
      %dma_wait3A_1179 = arith.constant 0 : i32
      %dma_wait3A_1180 = arith.constant 0 : i32
      %dma_wait3A_1181 = tpu.memref_slice %arg2[%dma_wait3A_1179, %dma_wait3A_1180] : memref<320000x128xf32, #tpu.memory_space<hbm>> -> memref<128x128xf32, #tpu.memory_space<hbm>>
      %dma_wait3A_1182 = arith.constant 0 : i32
      %dma_wait3A_1183 = arith.constant 0 : i32
      %dma_wait3A_1184 = tpu.memref_slice %arg2[%dma_wait3A_1182, %dma_wait3A_1183] : memref<320000x128xf32, #tpu.memory_space<hbm>> -> memref<128x128xf32, #tpu.memory_space<hbm>>
      tpu.wait_dma2 semaphore(%arg23 : memref<!tpu.dma_semaphore, #tpu.memory_space<semaphore_mem>>) src(%dma_wait3A_1184 : memref<128x128xf32, #tpu.memory_space<hbm>>) dst(%arg10 : memref<128x128xf32, #tpu.memory_space<vmem>>)
      %add3A_1185 = arith.constant 2 : i32
      %add3A_1186 = arith.addi %mul3A_664, %add3A_1185 : i32
      %add3A_1187 = arith.constant 4 : i32
      %add3A_1188 = arith.addi %add3A_1186, %add3A_1187 : i32
      %add3A_1189 = arith.addi %multiple_of3A, %add3A_1188 : i32
      %mul3A_1190 = arith.constant 128 : i32
      %mul3A_1191 = arith.muli %add3A_1189, %mul3A_1190 : i32
      %dma_start3A_1192 = arith.constant 0 : i32
      %dma_start3A_1193 = tpu.memref_slice %arg2[%mul3A_1191, %dma_start3A_1192] : memref<320000x128xf32, #tpu.memory_space<hbm>> -> memref<128x128xf32, #tpu.memory_space<hbm>>
      %dma_start3A_1194 = arith.constant 0 : i32
      %dma_start3A_1195 = tpu.memref_slice %arg2[%mul3A_1191, %dma_start3A_1194] : memref<320000x128xf32, #tpu.memory_space<hbm>> -> memref<128x128xf32, #tpu.memory_space<hbm>>
      tpu.enqueue_dma source(%dma_start3A_1195 : memref<128x128xf32, #tpu.memory_space<hbm>>) target(%arg10 : memref<128x128xf32, #tpu.memory_space<vmem>>) target_semaphore(%arg19 : memref<!tpu.dma_semaphore, #tpu.memory_space<semaphore_mem>>)
      %dma_wait3A_1196 = arith.constant 0 : i32
      %dma_wait3A_1197 = arith.constant 0 : i32
      %dma_wait3A_1198 = tpu.memref_slice %arg2[%dma_wait3A_1196, %dma_wait3A_1197] : memref<320000x128xf32, #tpu.memory_space<hbm>> -> memref<128x128xf32, #tpu.memory_space<hbm>>
      %dma_wait3A_1199 = arith.constant 0 : i32
      %dma_wait3A_1200 = arith.constant 0 : i32
      %dma_wait3A_1201 = tpu.memref_slice %arg2[%dma_wait3A_1199, %dma_wait3A_1200] : memref<320000x128xf32, #tpu.memory_space<hbm>> -> memref<128x128xf32, #tpu.memory_space<hbm>>
      tpu.wait_dma2 semaphore(%arg24 : memref<!tpu.dma_semaphore, #tpu.memory_space<semaphore_mem>>) src(%dma_wait3A_1201 : memref<128x128xf32, #tpu.memory_space<hbm>>) dst(%arg11 : memref<128x128xf32, #tpu.memory_space<vmem>>)
      %add3A_1202 = arith.constant 3 : i32
      %add3A_1203 = arith.addi %mul3A_664, %add3A_1202 : i32
      %add3A_1204 = arith.constant 4 : i32
      %add3A_1205 = arith.addi %add3A_1203, %add3A_1204 : i32
      %add3A_1206 = arith.addi %multiple_of3A, %add3A_1205 : i32
      %mul3A_1207 = arith.constant 128 : i32
      %mul3A_1208 = arith.muli %add3A_1206, %mul3A_1207 : i32
      %dma_start3A_1209 = arith.constant 0 : i32
      %dma_start3A_1210 = tpu.memref_slice %arg2[%mul3A_1208, %dma_start3A_1209] : memref<320000x128xf32, #tpu.memory_space<hbm>> -> memref<128x128xf32, #tpu.memory_space<hbm>>
      %dma_start3A_1211 = arith.constant 0 : i32
      %dma_start3A_1212 = tpu.memref_slice %arg2[%mul3A_1208, %dma_start3A_1211] : memref<320000x128xf32, #tpu.memory_space<hbm>> -> memref<128x128xf32, #tpu.memory_space<hbm>>
      tpu.enqueue_dma source(%dma_start3A_1212 : memref<128x128xf32, #tpu.memory_space<hbm>>) target(%arg11 : memref<128x128xf32, #tpu.memory_space<vmem>>) target_semaphore(%arg20 : memref<!tpu.dma_semaphore, #tpu.memory_space<semaphore_mem>>)
      %scan3A_1213 = arith.constant 0 : i32
      scf.yield %scan3A_1213 : i32
    }
    %scan3A_127 = arith.constant 17 : i32
    %add3A_128 = arith.constant 68 : i32
    %add3A_129 = arith.addi %and3A_13, %add3A_128 : i32
    %get3A = arith.index_cast %add3A_129 : i32 to index
    %get3A_130 = arith.constant 0 : index
    %get3A_131 = tpu.vector_load %arg13[%get3A, %get3A_130] {strides = array<i32>} : memref<88x128xi32, #tpu.memory_space<vmem>>, vector<16xi32>,
    %shift_right_arithmetic3A = arith.constant 3 : i32
    %shift_right_arithmetic3A_132 = vector.broadcast %shift_right_arithmetic3A : i32 to vector<16xi32>
    %shift_right_arithmetic3A_133 = arith.shrsi %get3A_131, %shift_right_arithmetic3A_132 : vector<16xi32>
    %and3A_134 = arith.constant 7 : i32
    %and3A_135 = vector.broadcast %and3A_134 : i32 to vector<16xi32>
    %and3A_136 = arith.andi %get3A_131, %and3A_135 : vector<16xi32>
    %mul3A_137 = arith.constant 16 : i32
    %mul3A_138 = vector.broadcast %mul3A_137 : i32 to vector<16xi32>
    %mul3A_139 = arith.muli %and3A_136, %mul3A_138 : vector<16xi32>
    tpu.vector_store_idx %arg14[%shift_right_arithmetic3A_133, %mul3A_139], %add3A_120 {add = true} : memref<128x128xi32, #tpu.memory_space<vmem>>[vector<16xi32>, vector<16xi32>], vector<16xi32>,
    %add3A_140 = arith.constant 68 : i32
    %add3A_141 = arith.addi %and3A_13, %add3A_140 : i32
    %get3A_142 = arith.index_cast %add3A_141 : i32 to index
    %get3A_143 = arith.constant 16 : index
    %get3A_144 = tpu.vector_load %arg13[%get3A_142, %get3A_143] {strides = array<i32>} : memref<88x128xi32, #tpu.memory_space<vmem>>, vector<16xi32>,
    %shift_right_arithmetic3A_145 = arith.constant 3 : i32
    %shift_right_arithmetic3A_146 = vector.broadcast %shift_right_arithmetic3A_145 : i32 to vector<16xi32>
    %shift_right_arithmetic3A_147 = arith.shrsi %get3A_144, %shift_right_arithmetic3A_146 : vector<16xi32>
    %and3A_148 = arith.constant 7 : i32
    %and3A_149 = vector.broadcast %and3A_148 : i32 to vector<16xi32>
    %and3A_150 = arith.andi %get3A_144, %and3A_149 : vector<16xi32>
    %mul3A_151 = arith.constant 16 : i32
    %mul3A_152 = vector.broadcast %mul3A_151 : i32 to vector<16xi32>
    %mul3A_153 = arith.muli %and3A_150, %mul3A_152 : vector<16xi32>
    tpu.vector_store_idx %arg14[%shift_right_arithmetic3A_147, %mul3A_153], %add3A_120 {add = true} : memref<128x128xi32, #tpu.memory_space<vmem>>[vector<16xi32>, vector<16xi32>], vector<16xi32>,
    %add3A_154 = arith.constant 68 : i32
    %add3A_155 = arith.addi %and3A_13, %add3A_154 : i32
    %get3A_156 = arith.index_cast %add3A_155 : i32 to index
    %get3A_157 = arith.constant 32 : index
    %get3A_158 = tpu.vector_load %arg13[%get3A_156, %get3A_157] {strides = array<i32>} : memref<88x128xi32, #tpu.memory_space<vmem>>, vector<16xi32>,
    %shift_right_arithmetic3A_159 = arith.constant 3 : i32
    %shift_right_arithmetic3A_160 = vector.broadcast %shift_right_arithmetic3A_159 : i32 to vector<16xi32>
    %shift_right_arithmetic3A_161 = arith.shrsi %get3A_158, %shift_right_arithmetic3A_160 : vector<16xi32>
    %and3A_162 = arith.constant 7 : i32
    %and3A_163 = vector.broadcast %and3A_162 : i32 to vector<16xi32>
    %and3A_164 = arith.andi %get3A_158, %and3A_163 : vector<16xi32>
    %mul3A_165 = arith.constant 16 : i32
    %mul3A_166 = vector.broadcast %mul3A_165 : i32 to vector<16xi32>
    %mul3A_167 = arith.muli %and3A_164, %mul3A_166 : vector<16xi32>
    tpu.vector_store_idx %arg14[%shift_right_arithmetic3A_161, %mul3A_167], %add3A_120 {add = true} : memref<128x128xi32, #tpu.memory_space<vmem>>[vector<16xi32>, vector<16xi32>], vector<16xi32>,
    %add3A_168 = arith.constant 68 : i32
    %add3A_169 = arith.addi %and3A_13, %add3A_168 : i32
    %get3A_170 = arith.index_cast %add3A_169 : i32 to index
    %get3A_171 = arith.constant 48 : index
    %get3A_172 = tpu.vector_load %arg13[%get3A_170, %get3A_171] {strides = array<i32>} : memref<88x128xi32, #tpu.memory_space<vmem>>, vector<16xi32>,
    %shift_right_arithmetic3A_173 = arith.constant 3 : i32
    %shift_right_arithmetic3A_174 = vector.broadcast %shift_right_arithmetic3A_173 : i32 to vector<16xi32>
    %shift_right_arithmetic3A_175 = arith.shrsi %get3A_172, %shift_right_arithmetic3A_174 : vector<16xi32>
    %and3A_176 = arith.constant 7 : i32
    %and3A_177 = vector.broadcast %and3A_176 : i32 to vector<16xi32>
    %and3A_178 = arith.andi %get3A_172, %and3A_177 : vector<16xi32>
    %mul3A_179 = arith.constant 16 : i32
    %mul3A_180 = vector.broadcast %mul3A_179 : i32 to vector<16xi32>
    %mul3A_181 = arith.muli %and3A_178, %mul3A_180 : vector<16xi32>
    tpu.vector_store_idx %arg14[%shift_right_arithmetic3A_175, %mul3A_181], %add3A_120 {add = true} : memref<128x128xi32, #tpu.memory_space<vmem>>[vector<16xi32>, vector<16xi32>], vector<16xi32>,
    %add3A_182 = arith.constant 68 : i32
    %add3A_183 = arith.addi %and3A_13, %add3A_182 : i32
    %get3A_184 = arith.index_cast %add3A_183 : i32 to index
    %get3A_185 = arith.constant 64 : index
    %get3A_186 = tpu.vector_load %arg13[%get3A_184, %get3A_185] {strides = array<i32>} : memref<88x128xi32, #tpu.memory_space<vmem>>, vector<16xi32>,
    %shift_right_arithmetic3A_187 = arith.constant 3 : i32
    %shift_right_arithmetic3A_188 = vector.broadcast %shift_right_arithmetic3A_187 : i32 to vector<16xi32>
    %shift_right_arithmetic3A_189 = arith.shrsi %get3A_186, %shift_right_arithmetic3A_188 : vector<16xi32>
    %and3A_190 = arith.constant 7 : i32
    %and3A_191 = vector.broadcast %and3A_190 : i32 to vector<16xi32>
    %and3A_192 = arith.andi %get3A_186, %and3A_191 : vector<16xi32>
    %mul3A_193 = arith.constant 16 : i32
    %mul3A_194 = vector.broadcast %mul3A_193 : i32 to vector<16xi32>
    %mul3A_195 = arith.muli %and3A_192, %mul3A_194 : vector<16xi32>
    tpu.vector_store_idx %arg14[%shift_right_arithmetic3A_189, %mul3A_195], %add3A_120 {add = true} : memref<128x128xi32, #tpu.memory_space<vmem>>[vector<16xi32>, vector<16xi32>], vector<16xi32>,
    %add3A_196 = arith.constant 68 : i32
    %add3A_197 = arith.addi %and3A_13, %add3A_196 : i32
    %get3A_198 = arith.index_cast %add3A_197 : i32 to index
    %get3A_199 = arith.constant 80 : index
    %get3A_200 = tpu.vector_load %arg13[%get3A_198, %get3A_199] {strides = array<i32>} : memref<88x128xi32, #tpu.memory_space<vmem>>, vector<16xi32>,
    %shift_right_arithmetic3A_201 = arith.constant 3 : i32
    %shift_right_arithmetic3A_202 = vector.broadcast %shift_right_arithmetic3A_201 : i32 to vector<16xi32>
    %shift_right_arithmetic3A_203 = arith.shrsi %get3A_200, %shift_right_arithmetic3A_202 : vector<16xi32>
    %and3A_204 = arith.constant 7 : i32
    %and3A_205 = vector.broadcast %and3A_204 : i32 to vector<16xi32>
    %and3A_206 = arith.andi %get3A_200, %and3A_205 : vector<16xi32>
    %mul3A_207 = arith.constant 16 : i32
    %mul3A_208 = vector.broadcast %mul3A_207 : i32 to vector<16xi32>
    %mul3A_209 = arith.muli %and3A_206, %mul3A_208 : vector<16xi32>
    tpu.vector_store_idx %arg14[%shift_right_arithmetic3A_203, %mul3A_209], %add3A_120 {add = true} : memref<128x128xi32, #tpu.memory_space<vmem>>[vector<16xi32>, vector<16xi32>], vector<16xi32>,
    %add3A_210 = arith.constant 68 : i32
    %add3A_211 = arith.addi %and3A_13, %add3A_210 : i32
    %get3A_212 = arith.index_cast %add3A_211 : i32 to index
    %get3A_213 = arith.constant 96 : index
    %get3A_214 = tpu.vector_load %arg13[%get3A_212, %get3A_213] {strides = array<i32>} : memref<88x128xi32, #tpu.memory_space<vmem>>, vector<16xi32>,
    %shift_right_arithmetic3A_215 = arith.constant 3 : i32
    %shift_right_arithmetic3A_216 = vector.broadcast %shift_right_arithmetic3A_215 : i32 to vector<16xi32>
    %shift_right_arithmetic3A_217 = arith.shrsi %get3A_214, %shift_right_arithmetic3A_216 : vector<16xi32>
    %and3A_218 = arith.constant 7 : i32
    %and3A_219 = vector.broadcast %and3A_218 : i32 to vector<16xi32>
    %and3A_220 = arith.andi %get3A_214, %and3A_219 : vector<16xi32>
    %mul3A_221 = arith.constant 16 : i32
    %mul3A_222 = vector.broadcast %mul3A_221 : i32 to vector<16xi32>
    %mul3A_223 = arith.muli %and3A_220, %mul3A_222 : vector<16xi32>
    tpu.vector_store_idx %arg14[%shift_right_arithmetic3A_217, %mul3A_223], %add3A_120 {add = true} : memref<128x128xi32, #tpu.memory_space<vmem>>[vector<16xi32>, vector<16xi32>], vector<16xi32>,
    %add3A_224 = arith.constant 68 : i32
    %add3A_225 = arith.addi %and3A_13, %add3A_224 : i32
    %get3A_226 = arith.index_cast %add3A_225 : i32 to index
    %get3A_227 = arith.constant 112 : index
    %get3A_228 = tpu.vector_load %arg13[%get3A_226, %get3A_227] {strides = array<i32>} : memref<88x128xi32, #tpu.memory_space<vmem>>, vector<16xi32>,
    %shift_right_arithmetic3A_229 = arith.constant 3 : i32
    %shift_right_arithmetic3A_230 = vector.broadcast %shift_right_arithmetic3A_229 : i32 to vector<16xi32>
    %shift_right_arithmetic3A_231 = arith.shrsi %get3A_228, %shift_right_arithmetic3A_230 : vector<16xi32>
    %and3A_232 = arith.constant 7 : i32
    %and3A_233 = vector.broadcast %and3A_232 : i32 to vector<16xi32>
    %and3A_234 = arith.andi %get3A_228, %and3A_233 : vector<16xi32>
    %mul3A_235 = arith.constant 16 : i32
    %mul3A_236 = vector.broadcast %mul3A_235 : i32 to vector<16xi32>
    %mul3A_237 = arith.muli %and3A_234, %mul3A_236 : vector<16xi32>
    tpu.vector_store_idx %arg14[%shift_right_arithmetic3A_231, %mul3A_237], %add3A_120 {add = true} : memref<128x128xi32, #tpu.memory_space<vmem>>[vector<16xi32>, vector<16xi32>], vector<16xi32>,
    %dma_wait3A = arith.constant 0 : i32
    %dma_wait3A_238 = arith.constant 0 : i32
    %dma_wait3A_239 = tpu.memref_slice %arg2[%dma_wait3A, %dma_wait3A_238] : memref<320000x128xf32, #tpu.memory_space<hbm>> -> memref<128x128xf32, #tpu.memory_space<hbm>>
    %dma_wait3A_240 = arith.constant 0 : i32
    %dma_wait3A_241 = arith.constant 0 : i32
    %dma_wait3A_242 = tpu.memref_slice %arg2[%dma_wait3A_240, %dma_wait3A_241] : memref<320000x128xf32, #tpu.memory_space<hbm>> -> memref<128x128xf32, #tpu.memory_space<hbm>>
    tpu.wait_dma2 semaphore(%arg17 : memref<!tpu.dma_semaphore, #tpu.memory_space<semaphore_mem>>) src(%dma_wait3A_242 : memref<128x128xf32, #tpu.memory_space<hbm>>) dst(%arg8 : memref<128x128xf32, #tpu.memory_space<vmem>>)
    %dma_start3A_243 = arith.constant 68 : i32
    %dma_start3A_244 = arith.constant 0 : i32
    %dma_start3A_245 = tpu.memref_slice %arg12[%dma_start3A_243, %dma_start3A_244] : memref<72x128xi32, #tpu.memory_space<vmem>> -> memref<1x128xi32, #tpu.memory_space<vmem>>
    %dma_start3A_246 = tpu.memref_squeeze %dma_start3A_245 : memref<1x128xi32, #tpu.memory_space<vmem>> -> memref<128xi32, #tpu.memory_space<vmem>>
    %dma_start3A_247 = arith.constant 0 : i32
    %dma_start3A_248 = arith.constant 0 : i32
    %dma_start3A_249 = tpu.memref_slice %arg6[%dma_start3A_247, %dma_start3A_248] : memref<1024x128xf32, #tpu.memory_space<vmem_shared>> -> memref<1024x128xf32, #tpu.memory_space<vmem_shared>>
    tpu.enqueue_indirect_dma source(%arg8 : memref<128x128xf32, #tpu.memory_space<vmem>>) target(%dma_start3A_249 : memref<1024x128xf32, #tpu.memory_space<vmem_shared>>) offsets(%dma_start3A_246 : memref<128xi32, #tpu.memory_space<vmem>>) semaphore(%arg21 : memref<!tpu.dma_semaphore, #tpu.memory_space<semaphore_mem>>) {add = true}
    %add3A_250 = arith.constant 69 : i32
    %add3A_251 = arith.addi %and3A_13, %add3A_250 : i32
    %get3A_252 = arith.index_cast %add3A_251 : i32 to index
    %get3A_253 = arith.constant 0 : index
    %get3A_254 = tpu.vector_load %arg13[%get3A_252, %get3A_253] {strides = array<i32>} : memref<88x128xi32, #tpu.memory_space<vmem>>, vector<16xi32>,
    %shift_right_arithmetic3A_255 = arith.constant 3 : i32
    %shift_right_arithmetic3A_256 = vector.broadcast %shift_right_arithmetic3A_255 : i32 to vector<16xi32>
    %shift_right_arithmetic3A_257 = arith.shrsi %get3A_254, %shift_right_arithmetic3A_256 : vector<16xi32>
    %and3A_258 = arith.constant 7 : i32
    %and3A_259 = vector.broadcast %and3A_258 : i32 to vector<16xi32>
    %and3A_260 = arith.andi %get3A_254, %and3A_259 : vector<16xi32>
    %mul3A_261 = arith.constant 16 : i32
    %mul3A_262 = vector.broadcast %mul3A_261 : i32 to vector<16xi32>
    %mul3A_263 = arith.muli %and3A_260, %mul3A_262 : vector<16xi32>
    tpu.vector_store_idx %arg14[%shift_right_arithmetic3A_257, %mul3A_263], %add3A_120 {add = true} : memref<128x128xi32, #tpu.memory_space<vmem>>[vector<16xi32>, vector<16xi32>], vector<16xi32>,
    %add3A_264 = arith.constant 69 : i32
    %add3A_265 = arith.addi %and3A_13, %add3A_264 : i32
    %get3A_266 = arith.index_cast %add3A_265 : i32 to index
    %get3A_267 = arith.constant 16 : index
    %get3A_268 = tpu.vector_load %arg13[%get3A_266, %get3A_267] {strides = array<i32>} : memref<88x128xi32, #tpu.memory_space<vmem>>, vector<16xi32>,
    %shift_right_arithmetic3A_269 = arith.constant 3 : i32
    %shift_right_arithmetic3A_270 = vector.broadcast %shift_right_arithmetic3A_269 : i32 to vector<16xi32>
    %shift_right_arithmetic3A_271 = arith.shrsi %get3A_268, %shift_right_arithmetic3A_270 : vector<16xi32>
    %and3A_272 = arith.constant 7 : i32
    %and3A_273 = vector.broadcast %and3A_272 : i32 to vector<16xi32>
    %and3A_274 = arith.andi %get3A_268, %and3A_273 : vector<16xi32>
    %mul3A_275 = arith.constant 16 : i32
    %mul3A_276 = vector.broadcast %mul3A_275 : i32 to vector<16xi32>
    %mul3A_277 = arith.muli %and3A_274, %mul3A_276 : vector<16xi32>
    tpu.vector_store_idx %arg14[%shift_right_arithmetic3A_271, %mul3A_277], %add3A_120 {add = true} : memref<128x128xi32, #tpu.memory_space<vmem>>[vector<16xi32>, vector<16xi32>], vector<16xi32>,
    %add3A_278 = arith.constant 69 : i32
    %add3A_279 = arith.addi %and3A_13, %add3A_278 : i32
    %get3A_280 = arith.index_cast %add3A_279 : i32 to index
    %get3A_281 = arith.constant 32 : index
    %get3A_282 = tpu.vector_load %arg13[%get3A_280, %get3A_281] {strides = array<i32>} : memref<88x128xi32, #tpu.memory_space<vmem>>, vector<16xi32>,
    %shift_right_arithmetic3A_283 = arith.constant 3 : i32
    %shift_right_arithmetic3A_284 = vector.broadcast %shift_right_arithmetic3A_283 : i32 to vector<16xi32>
    %shift_right_arithmetic3A_285 = arith.shrsi %get3A_282, %shift_right_arithmetic3A_284 : vector<16xi32>
    %and3A_286 = arith.constant 7 : i32
    %and3A_287 = vector.broadcast %and3A_286 : i32 to vector<16xi32>
    %and3A_288 = arith.andi %get3A_282, %and3A_287 : vector<16xi32>
    %mul3A_289 = arith.constant 16 : i32
    %mul3A_290 = vector.broadcast %mul3A_289 : i32 to vector<16xi32>
    %mul3A_291 = arith.muli %and3A_288, %mul3A_290 : vector<16xi32>
    tpu.vector_store_idx %arg14[%shift_right_arithmetic3A_285, %mul3A_291], %add3A_120 {add = true} : memref<128x128xi32, #tpu.memory_space<vmem>>[vector<16xi32>, vector<16xi32>], vector<16xi32>,
    %add3A_292 = arith.constant 69 : i32
    %add3A_293 = arith.addi %and3A_13, %add3A_292 : i32
    %get3A_294 = arith.index_cast %add3A_293 : i32 to index
    %get3A_295 = arith.constant 48 : index
    %get3A_296 = tpu.vector_load %arg13[%get3A_294, %get3A_295] {strides = array<i32>} : memref<88x128xi32, #tpu.memory_space<vmem>>, vector<16xi32>,
    %shift_right_arithmetic3A_297 = arith.constant 3 : i32
    %shift_right_arithmetic3A_298 = vector.broadcast %shift_right_arithmetic3A_297 : i32 to vector<16xi32>
    %shift_right_arithmetic3A_299 = arith.shrsi %get3A_296, %shift_right_arithmetic3A_298 : vector<16xi32>
    %and3A_300 = arith.constant 7 : i32
    %and3A_301 = vector.broadcast %and3A_300 : i32 to vector<16xi32>
    %and3A_302 = arith.andi %get3A_296, %and3A_301 : vector<16xi32>
    %mul3A_303 = arith.constant 16 : i32
    %mul3A_304 = vector.broadcast %mul3A_303 : i32 to vector<16xi32>
    %mul3A_305 = arith.muli %and3A_302, %mul3A_304 : vector<16xi32>
    tpu.vector_store_idx %arg14[%shift_right_arithmetic3A_299, %mul3A_305], %add3A_120 {add = true} : memref<128x128xi32, #tpu.memory_space<vmem>>[vector<16xi32>, vector<16xi32>], vector<16xi32>,
    %add3A_306 = arith.constant 69 : i32
    %add3A_307 = arith.addi %and3A_13, %add3A_306 : i32
    %get3A_308 = arith.index_cast %add3A_307 : i32 to index
    %get3A_309 = arith.constant 64 : index
    %get3A_310 = tpu.vector_load %arg13[%get3A_308, %get3A_309] {strides = array<i32>} : memref<88x128xi32, #tpu.memory_space<vmem>>, vector<16xi32>,
    %shift_right_arithmetic3A_311 = arith.constant 3 : i32
    %shift_right_arithmetic3A_312 = vector.broadcast %shift_right_arithmetic3A_311 : i32 to vector<16xi32>
    %shift_right_arithmetic3A_313 = arith.shrsi %get3A_310, %shift_right_arithmetic3A_312 : vector<16xi32>
    %and3A_314 = arith.constant 7 : i32
    %and3A_315 = vector.broadcast %and3A_314 : i32 to vector<16xi32>
    %and3A_316 = arith.andi %get3A_310, %and3A_315 : vector<16xi32>
    %mul3A_317 = arith.constant 16 : i32
    %mul3A_318 = vector.broadcast %mul3A_317 : i32 to vector<16xi32>
    %mul3A_319 = arith.muli %and3A_316, %mul3A_318 : vector<16xi32>
    tpu.vector_store_idx %arg14[%shift_right_arithmetic3A_313, %mul3A_319], %add3A_120 {add = true} : memref<128x128xi32, #tpu.memory_space<vmem>>[vector<16xi32>, vector<16xi32>], vector<16xi32>,
    %add3A_320 = arith.constant 69 : i32
    %add3A_321 = arith.addi %and3A_13, %add3A_320 : i32
    %get3A_322 = arith.index_cast %add3A_321 : i32 to index
    %get3A_323 = arith.constant 80 : index
    %get3A_324 = tpu.vector_load %arg13[%get3A_322, %get3A_323] {strides = array<i32>} : memref<88x128xi32, #tpu.memory_space<vmem>>, vector<16xi32>,
    %shift_right_arithmetic3A_325 = arith.constant 3 : i32
    %shift_right_arithmetic3A_326 = vector.broadcast %shift_right_arithmetic3A_325 : i32 to vector<16xi32>
    %shift_right_arithmetic3A_327 = arith.shrsi %get3A_324, %shift_right_arithmetic3A_326 : vector<16xi32>
    %and3A_328 = arith.constant 7 : i32
    %and3A_329 = vector.broadcast %and3A_328 : i32 to vector<16xi32>
    %and3A_330 = arith.andi %get3A_324, %and3A_329 : vector<16xi32>
    %mul3A_331 = arith.constant 16 : i32
    %mul3A_332 = vector.broadcast %mul3A_331 : i32 to vector<16xi32>
    %mul3A_333 = arith.muli %and3A_330, %mul3A_332 : vector<16xi32>
    tpu.vector_store_idx %arg14[%shift_right_arithmetic3A_327, %mul3A_333], %add3A_120 {add = true} : memref<128x128xi32, #tpu.memory_space<vmem>>[vector<16xi32>, vector<16xi32>], vector<16xi32>,
    %add3A_334 = arith.constant 69 : i32
    %add3A_335 = arith.addi %and3A_13, %add3A_334 : i32
    %get3A_336 = arith.index_cast %add3A_335 : i32 to index
    %get3A_337 = arith.constant 96 : index
    %get3A_338 = tpu.vector_load %arg13[%get3A_336, %get3A_337] {strides = array<i32>} : memref<88x128xi32, #tpu.memory_space<vmem>>, vector<16xi32>,
    %shift_right_arithmetic3A_339 = arith.constant 3 : i32
    %shift_right_arithmetic3A_340 = vector.broadcast %shift_right_arithmetic3A_339 : i32 to vector<16xi32>
    %shift_right_arithmetic3A_341 = arith.shrsi %get3A_338, %shift_right_arithmetic3A_340 : vector<16xi32>
    %and3A_342 = arith.constant 7 : i32
    %and3A_343 = vector.broadcast %and3A_342 : i32 to vector<16xi32>
    %and3A_344 = arith.andi %get3A_338, %and3A_343 : vector<16xi32>
    %mul3A_345 = arith.constant 16 : i32
    %mul3A_346 = vector.broadcast %mul3A_345 : i32 to vector<16xi32>
    %mul3A_347 = arith.muli %and3A_344, %mul3A_346 : vector<16xi32>
    tpu.vector_store_idx %arg14[%shift_right_arithmetic3A_341, %mul3A_347], %add3A_120 {add = true} : memref<128x128xi32, #tpu.memory_space<vmem>>[vector<16xi32>, vector<16xi32>], vector<16xi32>,
    %add3A_348 = arith.constant 69 : i32
    %add3A_349 = arith.addi %and3A_13, %add3A_348 : i32
    %get3A_350 = arith.index_cast %add3A_349 : i32 to index
    %get3A_351 = arith.constant 112 : index
    %get3A_352 = tpu.vector_load %arg13[%get3A_350, %get3A_351] {strides = array<i32>} : memref<88x128xi32, #tpu.memory_space<vmem>>, vector<16xi32>,
    %shift_right_arithmetic3A_353 = arith.constant 3 : i32
    %shift_right_arithmetic3A_354 = vector.broadcast %shift_right_arithmetic3A_353 : i32 to vector<16xi32>
    %shift_right_arithmetic3A_355 = arith.shrsi %get3A_352, %shift_right_arithmetic3A_354 : vector<16xi32>
    %and3A_356 = arith.constant 7 : i32
    %and3A_357 = vector.broadcast %and3A_356 : i32 to vector<16xi32>
    %and3A_358 = arith.andi %get3A_352, %and3A_357 : vector<16xi32>
    %mul3A_359 = arith.constant 16 : i32
    %mul3A_360 = vector.broadcast %mul3A_359 : i32 to vector<16xi32>
    %mul3A_361 = arith.muli %and3A_358, %mul3A_360 : vector<16xi32>
    tpu.vector_store_idx %arg14[%shift_right_arithmetic3A_355, %mul3A_361], %add3A_120 {add = true} : memref<128x128xi32, #tpu.memory_space<vmem>>[vector<16xi32>, vector<16xi32>], vector<16xi32>,
    %dma_wait3A_362 = arith.constant 0 : i32
    %dma_wait3A_363 = arith.constant 0 : i32
    %dma_wait3A_364 = tpu.memref_slice %arg2[%dma_wait3A_362, %dma_wait3A_363] : memref<320000x128xf32, #tpu.memory_space<hbm>> -> memref<128x128xf32, #tpu.memory_space<hbm>>
    %dma_wait3A_365 = arith.constant 0 : i32
    %dma_wait3A_366 = arith.constant 0 : i32
    %dma_wait3A_367 = tpu.memref_slice %arg2[%dma_wait3A_365, %dma_wait3A_366] : memref<320000x128xf32, #tpu.memory_space<hbm>> -> memref<128x128xf32, #tpu.memory_space<hbm>>
    tpu.wait_dma2 semaphore(%arg18 : memref<!tpu.dma_semaphore, #tpu.memory_space<semaphore_mem>>) src(%dma_wait3A_367 : memref<128x128xf32, #tpu.memory_space<hbm>>) dst(%arg9 : memref<128x128xf32, #tpu.memory_space<vmem>>)
    %dma_start3A_368 = arith.constant 69 : i32
    %dma_start3A_369 = arith.constant 0 : i32
    %dma_start3A_370 = tpu.memref_slice %arg12[%dma_start3A_368, %dma_start3A_369] : memref<72x128xi32, #tpu.memory_space<vmem>> -> memref<1x128xi32, #tpu.memory_space<vmem>>
    %dma_start3A_371 = tpu.memref_squeeze %dma_start3A_370 : memref<1x128xi32, #tpu.memory_space<vmem>> -> memref<128xi32, #tpu.memory_space<vmem>>
    %dma_start3A_372 = arith.constant 0 : i32
    %dma_start3A_373 = arith.constant 0 : i32
    %dma_start3A_374 = tpu.memref_slice %arg6[%dma_start3A_372, %dma_start3A_373] : memref<1024x128xf32, #tpu.memory_space<vmem_shared>> -> memref<1024x128xf32, #tpu.memory_space<vmem_shared>>
    tpu.enqueue_indirect_dma source(%arg9 : memref<128x128xf32, #tpu.memory_space<vmem>>) target(%dma_start3A_374 : memref<1024x128xf32, #tpu.memory_space<vmem_shared>>) offsets(%dma_start3A_371 : memref<128xi32, #tpu.memory_space<vmem>>) semaphore(%arg22 : memref<!tpu.dma_semaphore, #tpu.memory_space<semaphore_mem>>) {add = true}
    %add3A_375 = arith.constant 70 : i32
    %add3A_376 = arith.addi %and3A_13, %add3A_375 : i32
    %get3A_377 = arith.index_cast %add3A_376 : i32 to index
    %get3A_378 = arith.constant 0 : index
    %get3A_379 = tpu.vector_load %arg13[%get3A_377, %get3A_378] {strides = array<i32>} : memref<88x128xi32, #tpu.memory_space<vmem>>, vector<16xi32>,
    %shift_right_arithmetic3A_380 = arith.constant 3 : i32
    %shift_right_arithmetic3A_381 = vector.broadcast %shift_right_arithmetic3A_380 : i32 to vector<16xi32>
    %shift_right_arithmetic3A_382 = arith.shrsi %get3A_379, %shift_right_arithmetic3A_381 : vector<16xi32>
    %and3A_383 = arith.constant 7 : i32
    %and3A_384 = vector.broadcast %and3A_383 : i32 to vector<16xi32>
    %and3A_385 = arith.andi %get3A_379, %and3A_384 : vector<16xi32>
    %mul3A_386 = arith.constant 16 : i32
    %mul3A_387 = vector.broadcast %mul3A_386 : i32 to vector<16xi32>
    %mul3A_388 = arith.muli %and3A_385, %mul3A_387 : vector<16xi32>
    tpu.vector_store_idx %arg14[%shift_right_arithmetic3A_382, %mul3A_388], %add3A_120 {add = true} : memref<128x128xi32, #tpu.memory_space<vmem>>[vector<16xi32>, vector<16xi32>], vector<16xi32>,
    %add3A_389 = arith.constant 70 : i32
    %add3A_390 = arith.addi %and3A_13, %add3A_389 : i32
    %get3A_391 = arith.index_cast %add3A_390 : i32 to index
    %get3A_392 = arith.constant 16 : index
    %get3A_393 = tpu.vector_load %arg13[%get3A_391, %get3A_392] {strides = array<i32>} : memref<88x128xi32, #tpu.memory_space<vmem>>, vector<16xi32>,
    %shift_right_arithmetic3A_394 = arith.constant 3 : i32
    %shift_right_arithmetic3A_395 = vector.broadcast %shift_right_arithmetic3A_394 : i32 to vector<16xi32>
    %shift_right_arithmetic3A_396 = arith.shrsi %get3A_393, %shift_right_arithmetic3A_395 : vector<16xi32>
    %and3A_397 = arith.constant 7 : i32
    %and3A_398 = vector.broadcast %and3A_397 : i32 to vector<16xi32>
    %and3A_399 = arith.andi %get3A_393, %and3A_398 : vector<16xi32>
    %mul3A_400 = arith.constant 16 : i32
    %mul3A_401 = vector.broadcast %mul3A_400 : i32 to vector<16xi32>
    %mul3A_402 = arith.muli %and3A_399, %mul3A_401 : vector<16xi32>
    tpu.vector_store_idx %arg14[%shift_right_arithmetic3A_396, %mul3A_402], %add3A_120 {add = true} : memref<128x128xi32, #tpu.memory_space<vmem>>[vector<16xi32>, vector<16xi32>], vector<16xi32>,
    %add3A_403 = arith.constant 70 : i32
    %add3A_404 = arith.addi %and3A_13, %add3A_403 : i32
    %get3A_405 = arith.index_cast %add3A_404 : i32 to index
    %get3A_406 = arith.constant 32 : index
    %get3A_407 = tpu.vector_load %arg13[%get3A_405, %get3A_406] {strides = array<i32>} : memref<88x128xi32, #tpu.memory_space<vmem>>, vector<16xi32>,
    %shift_right_arithmetic3A_408 = arith.constant 3 : i32
    %shift_right_arithmetic3A_409 = vector.broadcast %shift_right_arithmetic3A_408 : i32 to vector<16xi32>
    %shift_right_arithmetic3A_410 = arith.shrsi %get3A_407, %shift_right_arithmetic3A_409 : vector<16xi32>
    %and3A_411 = arith.constant 7 : i32
    %and3A_412 = vector.broadcast %and3A_411 : i32 to vector<16xi32>
    %and3A_413 = arith.andi %get3A_407, %and3A_412 : vector<16xi32>
    %mul3A_414 = arith.constant 16 : i32
    %mul3A_415 = vector.broadcast %mul3A_414 : i32 to vector<16xi32>
    %mul3A_416 = arith.muli %and3A_413, %mul3A_415 : vector<16xi32>
    tpu.vector_store_idx %arg14[%shift_right_arithmetic3A_410, %mul3A_416], %add3A_120 {add = true} : memref<128x128xi32, #tpu.memory_space<vmem>>[vector<16xi32>, vector<16xi32>], vector<16xi32>,
    %add3A_417 = arith.constant 70 : i32
    %add3A_418 = arith.addi %and3A_13, %add3A_417 : i32
    %get3A_419 = arith.index_cast %add3A_418 : i32 to index
    %get3A_420 = arith.constant 48 : index
    %get3A_421 = tpu.vector_load %arg13[%get3A_419, %get3A_420] {strides = array<i32>} : memref<88x128xi32, #tpu.memory_space<vmem>>, vector<16xi32>,
    %shift_right_arithmetic3A_422 = arith.constant 3 : i32
    %shift_right_arithmetic3A_423 = vector.broadcast %shift_right_arithmetic3A_422 : i32 to vector<16xi32>
    %shift_right_arithmetic3A_424 = arith.shrsi %get3A_421, %shift_right_arithmetic3A_423 : vector<16xi32>
    %and3A_425 = arith.constant 7 : i32
    %and3A_426 = vector.broadcast %and3A_425 : i32 to vector<16xi32>
    %and3A_427 = arith.andi %get3A_421, %and3A_426 : vector<16xi32>
    %mul3A_428 = arith.constant 16 : i32
    %mul3A_429 = vector.broadcast %mul3A_428 : i32 to vector<16xi32>
    %mul3A_430 = arith.muli %and3A_427, %mul3A_429 : vector<16xi32>
    tpu.vector_store_idx %arg14[%shift_right_arithmetic3A_424, %mul3A_430], %add3A_120 {add = true} : memref<128x128xi32, #tpu.memory_space<vmem>>[vector<16xi32>, vector<16xi32>], vector<16xi32>,
    %add3A_431 = arith.constant 70 : i32
    %add3A_432 = arith.addi %and3A_13, %add3A_431 : i32
    %get3A_433 = arith.index_cast %add3A_432 : i32 to index
    %get3A_434 = arith.constant 64 : index
    %get3A_435 = tpu.vector_load %arg13[%get3A_433, %get3A_434] {strides = array<i32>} : memref<88x128xi32, #tpu.memory_space<vmem>>, vector<16xi32>,
    %shift_right_arithmetic3A_436 = arith.constant 3 : i32
    %shift_right_arithmetic3A_437 = vector.broadcast %shift_right_arithmetic3A_436 : i32 to vector<16xi32>
    %shift_right_arithmetic3A_438 = arith.shrsi %get3A_435, %shift_right_arithmetic3A_437 : vector<16xi32>
    %and3A_439 = arith.constant 7 : i32
    %and3A_440 = vector.broadcast %and3A_439 : i32 to vector<16xi32>
    %and3A_441 = arith.andi %get3A_435, %and3A_440 : vector<16xi32>
    %mul3A_442 = arith.constant 16 : i32
    %mul3A_443 = vector.broadcast %mul3A_442 : i32 to vector<16xi32>
    %mul3A_444 = arith.muli %and3A_441, %mul3A_443 : vector<16xi32>
    tpu.vector_store_idx %arg14[%shift_right_arithmetic3A_438, %mul3A_444], %add3A_120 {add = true} : memref<128x128xi32, #tpu.memory_space<vmem>>[vector<16xi32>, vector<16xi32>], vector<16xi32>,
    %add3A_445 = arith.constant 70 : i32
    %add3A_446 = arith.addi %and3A_13, %add3A_445 : i32
    %get3A_447 = arith.index_cast %add3A_446 : i32 to index
    %get3A_448 = arith.constant 80 : index
    %get3A_449 = tpu.vector_load %arg13[%get3A_447, %get3A_448] {strides = array<i32>} : memref<88x128xi32, #tpu.memory_space<vmem>>, vector<16xi32>,
    %shift_right_arithmetic3A_450 = arith.constant 3 : i32
    %shift_right_arithmetic3A_451 = vector.broadcast %shift_right_arithmetic3A_450 : i32 to vector<16xi32>
    %shift_right_arithmetic3A_452 = arith.shrsi %get3A_449, %shift_right_arithmetic3A_451 : vector<16xi32>
    %and3A_453 = arith.constant 7 : i32
    %and3A_454 = vector.broadcast %and3A_453 : i32 to vector<16xi32>
    %and3A_455 = arith.andi %get3A_449, %and3A_454 : vector<16xi32>
    %mul3A_456 = arith.constant 16 : i32
    %mul3A_457 = vector.broadcast %mul3A_456 : i32 to vector<16xi32>
    %mul3A_458 = arith.muli %and3A_455, %mul3A_457 : vector<16xi32>
    tpu.vector_store_idx %arg14[%shift_right_arithmetic3A_452, %mul3A_458], %add3A_120 {add = true} : memref<128x128xi32, #tpu.memory_space<vmem>>[vector<16xi32>, vector<16xi32>], vector<16xi32>,
    %add3A_459 = arith.constant 70 : i32
    %add3A_460 = arith.addi %and3A_13, %add3A_459 : i32
    %get3A_461 = arith.index_cast %add3A_460 : i32 to index
    %get3A_462 = arith.constant 96 : index
    %get3A_463 = tpu.vector_load %arg13[%get3A_461, %get3A_462] {strides = array<i32>} : memref<88x128xi32, #tpu.memory_space<vmem>>, vector<16xi32>,
    %shift_right_arithmetic3A_464 = arith.constant 3 : i32
    %shift_right_arithmetic3A_465 = vector.broadcast %shift_right_arithmetic3A_464 : i32 to vector<16xi32>
    %shift_right_arithmetic3A_466 = arith.shrsi %get3A_463, %shift_right_arithmetic3A_465 : vector<16xi32>
    %and3A_467 = arith.constant 7 : i32
    %and3A_468 = vector.broadcast %and3A_467 : i32 to vector<16xi32>
    %and3A_469 = arith.andi %get3A_463, %and3A_468 : vector<16xi32>
    %mul3A_470 = arith.constant 16 : i32
    %mul3A_471 = vector.broadcast %mul3A_470 : i32 to vector<16xi32>
    %mul3A_472 = arith.muli %and3A_469, %mul3A_471 : vector<16xi32>
    tpu.vector_store_idx %arg14[%shift_right_arithmetic3A_466, %mul3A_472], %add3A_120 {add = true} : memref<128x128xi32, #tpu.memory_space<vmem>>[vector<16xi32>, vector<16xi32>], vector<16xi32>,
    %add3A_473 = arith.constant 70 : i32
    %add3A_474 = arith.addi %and3A_13, %add3A_473 : i32
    %get3A_475 = arith.index_cast %add3A_474 : i32 to index
    %get3A_476 = arith.constant 112 : index
    %get3A_477 = tpu.vector_load %arg13[%get3A_475, %get3A_476] {strides = array<i32>} : memref<88x128xi32, #tpu.memory_space<vmem>>, vector<16xi32>,
    %shift_right_arithmetic3A_478 = arith.constant 3 : i32
    %shift_right_arithmetic3A_479 = vector.broadcast %shift_right_arithmetic3A_478 : i32 to vector<16xi32>
    %shift_right_arithmetic3A_480 = arith.shrsi %get3A_477, %shift_right_arithmetic3A_479 : vector<16xi32>
    %and3A_481 = arith.constant 7 : i32
    %and3A_482 = vector.broadcast %and3A_481 : i32 to vector<16xi32>
    %and3A_483 = arith.andi %get3A_477, %and3A_482 : vector<16xi32>
    %mul3A_484 = arith.constant 16 : i32
    %mul3A_485 = vector.broadcast %mul3A_484 : i32 to vector<16xi32>
    %mul3A_486 = arith.muli %and3A_483, %mul3A_485 : vector<16xi32>
    tpu.vector_store_idx %arg14[%shift_right_arithmetic3A_480, %mul3A_486], %add3A_120 {add = true} : memref<128x128xi32, #tpu.memory_space<vmem>>[vector<16xi32>, vector<16xi32>], vector<16xi32>,
    %dma_wait3A_487 = arith.constant 0 : i32
    %dma_wait3A_488 = arith.constant 0 : i32
    %dma_wait3A_489 = tpu.memref_slice %arg2[%dma_wait3A_487, %dma_wait3A_488] : memref<320000x128xf32, #tpu.memory_space<hbm>> -> memref<128x128xf32, #tpu.memory_space<hbm>>
    %dma_wait3A_490 = arith.constant 0 : i32
    %dma_wait3A_491 = arith.constant 0 : i32
    %dma_wait3A_492 = tpu.memref_slice %arg2[%dma_wait3A_490, %dma_wait3A_491] : memref<320000x128xf32, #tpu.memory_space<hbm>> -> memref<128x128xf32, #tpu.memory_space<hbm>>
    tpu.wait_dma2 semaphore(%arg19 : memref<!tpu.dma_semaphore, #tpu.memory_space<semaphore_mem>>) src(%dma_wait3A_492 : memref<128x128xf32, #tpu.memory_space<hbm>>) dst(%arg10 : memref<128x128xf32, #tpu.memory_space<vmem>>)
    %dma_start3A_493 = arith.constant 70 : i32
    %dma_start3A_494 = arith.constant 0 : i32
    %dma_start3A_495 = tpu.memref_slice %arg12[%dma_start3A_493, %dma_start3A_494] : memref<72x128xi32, #tpu.memory_space<vmem>> -> memref<1x128xi32, #tpu.memory_space<vmem>>
    %dma_start3A_496 = tpu.memref_squeeze %dma_start3A_495 : memref<1x128xi32, #tpu.memory_space<vmem>> -> memref<128xi32, #tpu.memory_space<vmem>>
    %dma_start3A_497 = arith.constant 0 : i32
    %dma_start3A_498 = arith.constant 0 : i32
    %dma_start3A_499 = tpu.memref_slice %arg6[%dma_start3A_497, %dma_start3A_498] : memref<1024x128xf32, #tpu.memory_space<vmem_shared>> -> memref<1024x128xf32, #tpu.memory_space<vmem_shared>>
    tpu.enqueue_indirect_dma source(%arg10 : memref<128x128xf32, #tpu.memory_space<vmem>>) target(%dma_start3A_499 : memref<1024x128xf32, #tpu.memory_space<vmem_shared>>) offsets(%dma_start3A_496 : memref<128xi32, #tpu.memory_space<vmem>>) semaphore(%arg23 : memref<!tpu.dma_semaphore, #tpu.memory_space<semaphore_mem>>) {add = true}
    %add3A_500 = arith.constant 71 : i32
    %add3A_501 = arith.addi %and3A_13, %add3A_500 : i32
    %get3A_502 = arith.index_cast %add3A_501 : i32 to index
    %get3A_503 = arith.constant 0 : index
    %get3A_504 = tpu.vector_load %arg13[%get3A_502, %get3A_503] {strides = array<i32>} : memref<88x128xi32, #tpu.memory_space<vmem>>, vector<16xi32>,
    %shift_right_arithmetic3A_505 = arith.constant 3 : i32
    %shift_right_arithmetic3A_506 = vector.broadcast %shift_right_arithmetic3A_505 : i32 to vector<16xi32>
    %shift_right_arithmetic3A_507 = arith.shrsi %get3A_504, %shift_right_arithmetic3A_506 : vector<16xi32>
    %and3A_508 = arith.constant 7 : i32
    %and3A_509 = vector.broadcast %and3A_508 : i32 to vector<16xi32>
    %and3A_510 = arith.andi %get3A_504, %and3A_509 : vector<16xi32>
    %mul3A_511 = arith.constant 16 : i32
    %mul3A_512 = vector.broadcast %mul3A_511 : i32 to vector<16xi32>
    %mul3A_513 = arith.muli %and3A_510, %mul3A_512 : vector<16xi32>
    tpu.vector_store_idx %arg14[%shift_right_arithmetic3A_507, %mul3A_513], %add3A_120 {add = true} : memref<128x128xi32, #tpu.memory_space<vmem>>[vector<16xi32>, vector<16xi32>], vector<16xi32>,
    %add3A_514 = arith.constant 71 : i32
    %add3A_515 = arith.addi %and3A_13, %add3A_514 : i32
    %get3A_516 = arith.index_cast %add3A_515 : i32 to index
    %get3A_517 = arith.constant 16 : index
    %get3A_518 = tpu.vector_load %arg13[%get3A_516, %get3A_517] {strides = array<i32>} : memref<88x128xi32, #tpu.memory_space<vmem>>, vector<16xi32>,
    %shift_right_arithmetic3A_519 = arith.constant 3 : i32
    %shift_right_arithmetic3A_520 = vector.broadcast %shift_right_arithmetic3A_519 : i32 to vector<16xi32>
    %shift_right_arithmetic3A_521 = arith.shrsi %get3A_518, %shift_right_arithmetic3A_520 : vector<16xi32>
    %and3A_522 = arith.constant 7 : i32
    %and3A_523 = vector.broadcast %and3A_522 : i32 to vector<16xi32>
    %and3A_524 = arith.andi %get3A_518, %and3A_523 : vector<16xi32>
    %mul3A_525 = arith.constant 16 : i32
    %mul3A_526 = vector.broadcast %mul3A_525 : i32 to vector<16xi32>
    %mul3A_527 = arith.muli %and3A_524, %mul3A_526 : vector<16xi32>
    tpu.vector_store_idx %arg14[%shift_right_arithmetic3A_521, %mul3A_527], %add3A_120 {add = true} : memref<128x128xi32, #tpu.memory_space<vmem>>[vector<16xi32>, vector<16xi32>], vector<16xi32>,
    %add3A_528 = arith.constant 71 : i32
    %add3A_529 = arith.addi %and3A_13, %add3A_528 : i32
    %get3A_530 = arith.index_cast %add3A_529 : i32 to index
    %get3A_531 = arith.constant 32 : index
    %get3A_532 = tpu.vector_load %arg13[%get3A_530, %get3A_531] {strides = array<i32>} : memref<88x128xi32, #tpu.memory_space<vmem>>, vector<16xi32>,
    %shift_right_arithmetic3A_533 = arith.constant 3 : i32
    %shift_right_arithmetic3A_534 = vector.broadcast %shift_right_arithmetic3A_533 : i32 to vector<16xi32>
    %shift_right_arithmetic3A_535 = arith.shrsi %get3A_532, %shift_right_arithmetic3A_534 : vector<16xi32>
    %and3A_536 = arith.constant 7 : i32
    %and3A_537 = vector.broadcast %and3A_536 : i32 to vector<16xi32>
    %and3A_538 = arith.andi %get3A_532, %and3A_537 : vector<16xi32>
    %mul3A_539 = arith.constant 16 : i32
    %mul3A_540 = vector.broadcast %mul3A_539 : i32 to vector<16xi32>
    %mul3A_541 = arith.muli %and3A_538, %mul3A_540 : vector<16xi32>
    tpu.vector_store_idx %arg14[%shift_right_arithmetic3A_535, %mul3A_541], %add3A_120 {add = true} : memref<128x128xi32, #tpu.memory_space<vmem>>[vector<16xi32>, vector<16xi32>], vector<16xi32>,
    %add3A_542 = arith.constant 71 : i32
    %add3A_543 = arith.addi %and3A_13, %add3A_542 : i32
    %get3A_544 = arith.index_cast %add3A_543 : i32 to index
    %get3A_545 = arith.constant 48 : index
    %get3A_546 = tpu.vector_load %arg13[%get3A_544, %get3A_545] {strides = array<i32>} : memref<88x128xi32, #tpu.memory_space<vmem>>, vector<16xi32>,
    %shift_right_arithmetic3A_547 = arith.constant 3 : i32
    %shift_right_arithmetic3A_548 = vector.broadcast %shift_right_arithmetic3A_547 : i32 to vector<16xi32>
    %shift_right_arithmetic3A_549 = arith.shrsi %get3A_546, %shift_right_arithmetic3A_548 : vector<16xi32>
    %and3A_550 = arith.constant 7 : i32
    %and3A_551 = vector.broadcast %and3A_550 : i32 to vector<16xi32>
    %and3A_552 = arith.andi %get3A_546, %and3A_551 : vector<16xi32>
    %mul3A_553 = arith.constant 16 : i32
    %mul3A_554 = vector.broadcast %mul3A_553 : i32 to vector<16xi32>
    %mul3A_555 = arith.muli %and3A_552, %mul3A_554 : vector<16xi32>
    tpu.vector_store_idx %arg14[%shift_right_arithmetic3A_549, %mul3A_555], %add3A_120 {add = true} : memref<128x128xi32, #tpu.memory_space<vmem>>[vector<16xi32>, vector<16xi32>], vector<16xi32>,
    %add3A_556 = arith.constant 71 : i32
    %add3A_557 = arith.addi %and3A_13, %add3A_556 : i32
    %get3A_558 = arith.index_cast %add3A_557 : i32 to index
    %get3A_559 = arith.constant 64 : index
    %get3A_560 = tpu.vector_load %arg13[%get3A_558, %get3A_559] {strides = array<i32>} : memref<88x128xi32, #tpu.memory_space<vmem>>, vector<16xi32>,
    %shift_right_arithmetic3A_561 = arith.constant 3 : i32
    %shift_right_arithmetic3A_562 = vector.broadcast %shift_right_arithmetic3A_561 : i32 to vector<16xi32>
    %shift_right_arithmetic3A_563 = arith.shrsi %get3A_560, %shift_right_arithmetic3A_562 : vector<16xi32>
    %and3A_564 = arith.constant 7 : i32
    %and3A_565 = vector.broadcast %and3A_564 : i32 to vector<16xi32>
    %and3A_566 = arith.andi %get3A_560, %and3A_565 : vector<16xi32>
    %mul3A_567 = arith.constant 16 : i32
    %mul3A_568 = vector.broadcast %mul3A_567 : i32 to vector<16xi32>
    %mul3A_569 = arith.muli %and3A_566, %mul3A_568 : vector<16xi32>
    tpu.vector_store_idx %arg14[%shift_right_arithmetic3A_563, %mul3A_569], %add3A_120 {add = true} : memref<128x128xi32, #tpu.memory_space<vmem>>[vector<16xi32>, vector<16xi32>], vector<16xi32>,
    %add3A_570 = arith.constant 71 : i32
    %add3A_571 = arith.addi %and3A_13, %add3A_570 : i32
    %get3A_572 = arith.index_cast %add3A_571 : i32 to index
    %get3A_573 = arith.constant 80 : index
    %get3A_574 = tpu.vector_load %arg13[%get3A_572, %get3A_573] {strides = array<i32>} : memref<88x128xi32, #tpu.memory_space<vmem>>, vector<16xi32>,
    %shift_right_arithmetic3A_575 = arith.constant 3 : i32
    %shift_right_arithmetic3A_576 = vector.broadcast %shift_right_arithmetic3A_575 : i32 to vector<16xi32>
    %shift_right_arithmetic3A_577 = arith.shrsi %get3A_574, %shift_right_arithmetic3A_576 : vector<16xi32>
    %and3A_578 = arith.constant 7 : i32
    %and3A_579 = vector.broadcast %and3A_578 : i32 to vector<16xi32>
    %and3A_580 = arith.andi %get3A_574, %and3A_579 : vector<16xi32>
    %mul3A_581 = arith.constant 16 : i32
    %mul3A_582 = vector.broadcast %mul3A_581 : i32 to vector<16xi32>
    %mul3A_583 = arith.muli %and3A_580, %mul3A_582 : vector<16xi32>
    tpu.vector_store_idx %arg14[%shift_right_arithmetic3A_577, %mul3A_583], %add3A_120 {add = true} : memref<128x128xi32, #tpu.memory_space<vmem>>[vector<16xi32>, vector<16xi32>], vector<16xi32>,
    %add3A_584 = arith.constant 71 : i32
    %add3A_585 = arith.addi %and3A_13, %add3A_584 : i32
    %get3A_586 = arith.index_cast %add3A_585 : i32 to index
    %get3A_587 = arith.constant 96 : index
    %get3A_588 = tpu.vector_load %arg13[%get3A_586, %get3A_587] {strides = array<i32>} : memref<88x128xi32, #tpu.memory_space<vmem>>, vector<16xi32>,
    %shift_right_arithmetic3A_589 = arith.constant 3 : i32
    %shift_right_arithmetic3A_590 = vector.broadcast %shift_right_arithmetic3A_589 : i32 to vector<16xi32>
    %shift_right_arithmetic3A_591 = arith.shrsi %get3A_588, %shift_right_arithmetic3A_590 : vector<16xi32>
    %and3A_592 = arith.constant 7 : i32
    %and3A_593 = vector.broadcast %and3A_592 : i32 to vector<16xi32>
    %and3A_594 = arith.andi %get3A_588, %and3A_593 : vector<16xi32>
    %mul3A_595 = arith.constant 16 : i32
    %mul3A_596 = vector.broadcast %mul3A_595 : i32 to vector<16xi32>
    %mul3A_597 = arith.muli %and3A_594, %mul3A_596 : vector<16xi32>
    tpu.vector_store_idx %arg14[%shift_right_arithmetic3A_591, %mul3A_597], %add3A_120 {add = true} : memref<128x128xi32, #tpu.memory_space<vmem>>[vector<16xi32>, vector<16xi32>], vector<16xi32>,
    %add3A_598 = arith.constant 71 : i32
    %add3A_599 = arith.addi %and3A_13, %add3A_598 : i32
    %get3A_600 = arith.index_cast %add3A_599 : i32 to index
    %get3A_601 = arith.constant 112 : index
    %get3A_602 = tpu.vector_load %arg13[%get3A_600, %get3A_601] {strides = array<i32>} : memref<88x128xi32, #tpu.memory_space<vmem>>, vector<16xi32>,
    %shift_right_arithmetic3A_603 = arith.constant 3 : i32
    %shift_right_arithmetic3A_604 = vector.broadcast %shift_right_arithmetic3A_603 : i32 to vector<16xi32>
    %shift_right_arithmetic3A_605 = arith.shrsi %get3A_602, %shift_right_arithmetic3A_604 : vector<16xi32>
    %and3A_606 = arith.constant 7 : i32
    %and3A_607 = vector.broadcast %and3A_606 : i32 to vector<16xi32>
    %and3A_608 = arith.andi %get3A_602, %and3A_607 : vector<16xi32>
    %mul3A_609 = arith.constant 16 : i32
    %mul3A_610 = vector.broadcast %mul3A_609 : i32 to vector<16xi32>
    %mul3A_611 = arith.muli %and3A_608, %mul3A_610 : vector<16xi32>
    tpu.vector_store_idx %arg14[%shift_right_arithmetic3A_605, %mul3A_611], %add3A_120 {add = true} : memref<128x128xi32, #tpu.memory_space<vmem>>[vector<16xi32>, vector<16xi32>], vector<16xi32>,
    %dma_wait3A_612 = arith.constant 0 : i32
    %dma_wait3A_613 = arith.constant 0 : i32
    %dma_wait3A_614 = tpu.memref_slice %arg2[%dma_wait3A_612, %dma_wait3A_613] : memref<320000x128xf32, #tpu.memory_space<hbm>> -> memref<128x128xf32, #tpu.memory_space<hbm>>
    %dma_wait3A_615 = arith.constant 0 : i32
    %dma_wait3A_616 = arith.constant 0 : i32
    %dma_wait3A_617 = tpu.memref_slice %arg2[%dma_wait3A_615, %dma_wait3A_616] : memref<320000x128xf32, #tpu.memory_space<hbm>> -> memref<128x128xf32, #tpu.memory_space<hbm>>
    tpu.wait_dma2 semaphore(%arg20 : memref<!tpu.dma_semaphore, #tpu.memory_space<semaphore_mem>>) src(%dma_wait3A_617 : memref<128x128xf32, #tpu.memory_space<hbm>>) dst(%arg11 : memref<128x128xf32, #tpu.memory_space<vmem>>)
    %dma_start3A_618 = arith.constant 71 : i32
    %dma_start3A_619 = arith.constant 0 : i32
    %dma_start3A_620 = tpu.memref_slice %arg12[%dma_start3A_618, %dma_start3A_619] : memref<72x128xi32, #tpu.memory_space<vmem>> -> memref<1x128xi32, #tpu.memory_space<vmem>>
    %dma_start3A_621 = tpu.memref_squeeze %dma_start3A_620 : memref<1x128xi32, #tpu.memory_space<vmem>> -> memref<128xi32, #tpu.memory_space<vmem>>
    %dma_start3A_622 = arith.constant 0 : i32
    %dma_start3A_623 = arith.constant 0 : i32
    %dma_start3A_624 = tpu.memref_slice %arg6[%dma_start3A_622, %dma_start3A_623] : memref<1024x128xf32, #tpu.memory_space<vmem_shared>> -> memref<1024x128xf32, #tpu.memory_space<vmem_shared>>
    tpu.enqueue_indirect_dma source(%arg11 : memref<128x128xf32, #tpu.memory_space<vmem>>) target(%dma_start3A_624 : memref<1024x128xf32, #tpu.memory_space<vmem_shared>>) offsets(%dma_start3A_621 : memref<128xi32, #tpu.memory_space<vmem>>) semaphore(%arg24 : memref<!tpu.dma_semaphore, #tpu.memory_space<semaphore_mem>>) {add = true}
    %dma_wait3A_625 = arith.constant 0 : i32
    %dma_wait3A_626 = arith.constant 0 : i32
    %dma_wait3A_627 = tpu.memref_slice %arg2[%dma_wait3A_625, %dma_wait3A_626] : memref<320000x128xf32, #tpu.memory_space<hbm>> -> memref<128x128xf32, #tpu.memory_space<hbm>>
    %dma_wait3A_628 = arith.constant 0 : i32
    %dma_wait3A_629 = arith.constant 0 : i32
    %dma_wait3A_630 = tpu.memref_slice %arg2[%dma_wait3A_628, %dma_wait3A_629] : memref<320000x128xf32, #tpu.memory_space<hbm>> -> memref<128x128xf32, #tpu.memory_space<hbm>>
    tpu.wait_dma2 semaphore(%arg21 : memref<!tpu.dma_semaphore, #tpu.memory_space<semaphore_mem>>) src(%dma_wait3A_630 : memref<128x128xf32, #tpu.memory_space<hbm>>) dst(%arg8 : memref<128x128xf32, #tpu.memory_space<vmem>>)
    %dma_wait3A_631 = arith.constant 0 : i32
    %dma_wait3A_632 = arith.constant 0 : i32
    %dma_wait3A_633 = tpu.memref_slice %arg2[%dma_wait3A_631, %dma_wait3A_632] : memref<320000x128xf32, #tpu.memory_space<hbm>> -> memref<128x128xf32, #tpu.memory_space<hbm>>
    %dma_wait3A_634 = arith.constant 0 : i32
    %dma_wait3A_635 = arith.constant 0 : i32
    %dma_wait3A_636 = tpu.memref_slice %arg2[%dma_wait3A_634, %dma_wait3A_635] : memref<320000x128xf32, #tpu.memory_space<hbm>> -> memref<128x128xf32, #tpu.memory_space<hbm>>
    tpu.wait_dma2 semaphore(%arg22 : memref<!tpu.dma_semaphore, #tpu.memory_space<semaphore_mem>>) src(%dma_wait3A_636 : memref<128x128xf32, #tpu.memory_space<hbm>>) dst(%arg9 : memref<128x128xf32, #tpu.memory_space<vmem>>)
    %dma_wait3A_637 = arith.constant 0 : i32
    %dma_wait3A_638 = arith.constant 0 : i32
    %dma_wait3A_639 = tpu.memref_slice %arg2[%dma_wait3A_637, %dma_wait3A_638] : memref<320000x128xf32, #tpu.memory_space<hbm>> -> memref<128x128xf32, #tpu.memory_space<hbm>>
    %dma_wait3A_640 = arith.constant 0 : i32
    %dma_wait3A_641 = arith.constant 0 : i32
    %dma_wait3A_642 = tpu.memref_slice %arg2[%dma_wait3A_640, %dma_wait3A_641] : memref<320000x128xf32, #tpu.memory_space<hbm>> -> memref<128x128xf32, #tpu.memory_space<hbm>>
    tpu.wait_dma2 semaphore(%arg23 : memref<!tpu.dma_semaphore, #tpu.memory_space<semaphore_mem>>) src(%dma_wait3A_642 : memref<128x128xf32, #tpu.memory_space<hbm>>) dst(%arg10 : memref<128x128xf32, #tpu.memory_space<vmem>>)
    %dma_wait3A_643 = arith.constant 0 : i32
    %dma_wait3A_644 = arith.constant 0 : i32
    %dma_wait3A_645 = tpu.memref_slice %arg2[%dma_wait3A_643, %dma_wait3A_644] : memref<320000x128xf32, #tpu.memory_space<hbm>> -> memref<128x128xf32, #tpu.memory_space<hbm>>
    %dma_wait3A_646 = arith.constant 0 : i32
    %dma_wait3A_647 = arith.constant 0 : i32
    %dma_wait3A_648 = tpu.memref_slice %arg2[%dma_wait3A_646, %dma_wait3A_647] : memref<320000x128xf32, #tpu.memory_space<hbm>> -> memref<128x128xf32, #tpu.memory_space<hbm>>
    tpu.wait_dma2 semaphore(%arg24 : memref<!tpu.dma_semaphore, #tpu.memory_space<semaphore_mem>>) src(%dma_wait3A_648 : memref<128x128xf32, #tpu.memory_space<hbm>>) dst(%arg11 : memref<128x128xf32, #tpu.memory_space<vmem>>)
    %while3A = arith.constant 72 : i32
    %while3A_649 = arith.constant 0 : i32
    %while3A_650 = arith.subi %add3A_12, %while3A : i32
    %while3A_651 = arith.addi %while3A, %while3A_650 : i32
    %while3A_652 = arith.constant 1 : i32
    %while3A_653 = arith.divsi %while3A_650, %while3A_652 : i32
    %while3A_654 = arith.muli %while3A_653, %while3A_652 : i32
    %while3A_655 = arith.addi %while3A, %while3A_654 : i32
    %while3A_656 = arith.constant 1 : i32
    %while3A_657 = scf.for %while3A_661 = %while3A to %while3A_655 step %while3A_656 iter_args(%while3A_662 = %while3A_649) -> (i32)  : i32 {
      %add3A_663 = arith.addi %and3A_13, %while3A_661 : i32
      %get3A_664 = arith.index_cast %add3A_663 : i32 to index
      %get3A_665 = arith.constant 0 : index
      %get3A_666 = tpu.vector_load %arg13[%get3A_664, %get3A_665] {strides = array<i32>} : memref<88x128xi32, #tpu.memory_space<vmem>>, vector<16xi32>,
      %shift_right_arithmetic3A_667 = arith.constant 3 : i32
      %shift_right_arithmetic3A_668 = vector.broadcast %shift_right_arithmetic3A_667 : i32 to vector<16xi32>
      %shift_right_arithmetic3A_669 = arith.shrsi %get3A_666, %shift_right_arithmetic3A_668 : vector<16xi32>
      %and3A_670 = arith.constant 7 : i32
      %and3A_671 = vector.broadcast %and3A_670 : i32 to vector<16xi32>
      %and3A_672 = arith.andi %get3A_666, %and3A_671 : vector<16xi32>
      %mul3A_673 = arith.constant 16 : i32
      %mul3A_674 = vector.broadcast %mul3A_673 : i32 to vector<16xi32>
      %mul3A_675 = arith.muli %and3A_672, %mul3A_674 : vector<16xi32>
      tpu.vector_store_idx %arg14[%shift_right_arithmetic3A_669, %mul3A_675], %add3A_120 {add = true} : memref<128x128xi32, #tpu.memory_space<vmem>>[vector<16xi32>, vector<16xi32>], vector<16xi32>,
      %add3A_676 = arith.addi %and3A_13, %while3A_661 : i32
      %get3A_677 = arith.index_cast %add3A_676 : i32 to index
      %get3A_678 = arith.constant 16 : index
      %get3A_679 = tpu.vector_load %arg13[%get3A_677, %get3A_678] {strides = array<i32>} : memref<88x128xi32, #tpu.memory_space<vmem>>, vector<16xi32>,
      %shift_right_arithmetic3A_680 = arith.constant 3 : i32
      %shift_right_arithmetic3A_681 = vector.broadcast %shift_right_arithmetic3A_680 : i32 to vector<16xi32>
      %shift_right_arithmetic3A_682 = arith.shrsi %get3A_679, %shift_right_arithmetic3A_681 : vector<16xi32>
      %and3A_683 = arith.constant 7 : i32
      %and3A_684 = vector.broadcast %and3A_683 : i32 to vector<16xi32>
      %and3A_685 = arith.andi %get3A_679, %and3A_684 : vector<16xi32>
      %mul3A_686 = arith.constant 16 : i32
      %mul3A_687 = vector.broadcast %mul3A_686 : i32 to vector<16xi32>
      %mul3A_688 = arith.muli %and3A_685, %mul3A_687 : vector<16xi32>
      tpu.vector_store_idx %arg14[%shift_right_arithmetic3A_682, %mul3A_688], %add3A_120 {add = true} : memref<128x128xi32, #tpu.memory_space<vmem>>[vector<16xi32>, vector<16xi32>], vector<16xi32>,
      %add3A_689 = arith.addi %and3A_13, %while3A_661 : i32
      %get3A_690 = arith.index_cast %add3A_689 : i32 to index
      %get3A_691 = arith.constant 32 : index
      %get3A_692 = tpu.vector_load %arg13[%get3A_690, %get3A_691] {strides = array<i32>} : memref<88x128xi32, #tpu.memory_space<vmem>>, vector<16xi32>,
      %shift_right_arithmetic3A_693 = arith.constant 3 : i32
      %shift_right_arithmetic3A_694 = vector.broadcast %shift_right_arithmetic3A_693 : i32 to vector<16xi32>
      %shift_right_arithmetic3A_695 = arith.shrsi %get3A_692, %shift_right_arithmetic3A_694 : vector<16xi32>
      %and3A_696 = arith.constant 7 : i32
      %and3A_697 = vector.broadcast %and3A_696 : i32 to vector<16xi32>
      %and3A_698 = arith.andi %get3A_692, %and3A_697 : vector<16xi32>
      %mul3A_699 = arith.constant 16 : i32
      %mul3A_700 = vector.broadcast %mul3A_699 : i32 to vector<16xi32>
      %mul3A_701 = arith.muli %and3A_698, %mul3A_700 : vector<16xi32>
      tpu.vector_store_idx %arg14[%shift_right_arithmetic3A_695, %mul3A_701], %add3A_120 {add = true} : memref<128x128xi32, #tpu.memory_space<vmem>>[vector<16xi32>, vector<16xi32>], vector<16xi32>,
      %add3A_702 = arith.addi %and3A_13, %while3A_661 : i32
      %get3A_703 = arith.index_cast %add3A_702 : i32 to index
      %get3A_704 = arith.constant 48 : index
      %get3A_705 = tpu.vector_load %arg13[%get3A_703, %get3A_704] {strides = array<i32>} : memref<88x128xi32, #tpu.memory_space<vmem>>, vector<16xi32>,
      %shift_right_arithmetic3A_706 = arith.constant 3 : i32
      %shift_right_arithmetic3A_707 = vector.broadcast %shift_right_arithmetic3A_706 : i32 to vector<16xi32>
      %shift_right_arithmetic3A_708 = arith.shrsi %get3A_705, %shift_right_arithmetic3A_707 : vector<16xi32>
      %and3A_709 = arith.constant 7 : i32
      %and3A_710 = vector.broadcast %and3A_709 : i32 to vector<16xi32>
      %and3A_711 = arith.andi %get3A_705, %and3A_710 : vector<16xi32>
      %mul3A_712 = arith.constant 16 : i32
      %mul3A_713 = vector.broadcast %mul3A_712 : i32 to vector<16xi32>
      %mul3A_714 = arith.muli %and3A_711, %mul3A_713 : vector<16xi32>
      tpu.vector_store_idx %arg14[%shift_right_arithmetic3A_708, %mul3A_714], %add3A_120 {add = true} : memref<128x128xi32, #tpu.memory_space<vmem>>[vector<16xi32>, vector<16xi32>], vector<16xi32>,
      %add3A_715 = arith.addi %and3A_13, %while3A_661 : i32
      %get3A_716 = arith.index_cast %add3A_715 : i32 to index
      %get3A_717 = arith.constant 64 : index
      %get3A_718 = tpu.vector_load %arg13[%get3A_716, %get3A_717] {strides = array<i32>} : memref<88x128xi32, #tpu.memory_space<vmem>>, vector<16xi32>,
      %shift_right_arithmetic3A_719 = arith.constant 3 : i32
      %shift_right_arithmetic3A_720 = vector.broadcast %shift_right_arithmetic3A_719 : i32 to vector<16xi32>
      %shift_right_arithmetic3A_721 = arith.shrsi %get3A_718, %shift_right_arithmetic3A_720 : vector<16xi32>
      %and3A_722 = arith.constant 7 : i32
      %and3A_723 = vector.broadcast %and3A_722 : i32 to vector<16xi32>
      %and3A_724 = arith.andi %get3A_718, %and3A_723 : vector<16xi32>
      %mul3A_725 = arith.constant 16 : i32
      %mul3A_726 = vector.broadcast %mul3A_725 : i32 to vector<16xi32>
      %mul3A_727 = arith.muli %and3A_724, %mul3A_726 : vector<16xi32>
      tpu.vector_store_idx %arg14[%shift_right_arithmetic3A_721, %mul3A_727], %add3A_120 {add = true} : memref<128x128xi32, #tpu.memory_space<vmem>>[vector<16xi32>, vector<16xi32>], vector<16xi32>,
      %add3A_728 = arith.addi %and3A_13, %while3A_661 : i32
      %get3A_729 = arith.index_cast %add3A_728 : i32 to index
      %get3A_730 = arith.constant 80 : index
      %get3A_731 = tpu.vector_load %arg13[%get3A_729, %get3A_730] {strides = array<i32>} : memref<88x128xi32, #tpu.memory_space<vmem>>, vector<16xi32>,
      %shift_right_arithmetic3A_732 = arith.constant 3 : i32
      %shift_right_arithmetic3A_733 = vector.broadcast %shift_right_arithmetic3A_732 : i32 to vector<16xi32>
      %shift_right_arithmetic3A_734 = arith.shrsi %get3A_731, %shift_right_arithmetic3A_733 : vector<16xi32>
      %and3A_735 = arith.constant 7 : i32
      %and3A_736 = vector.broadcast %and3A_735 : i32 to vector<16xi32>
      %and3A_737 = arith.andi %get3A_731, %and3A_736 : vector<16xi32>
      %mul3A_738 = arith.constant 16 : i32
      %mul3A_739 = vector.broadcast %mul3A_738 : i32 to vector<16xi32>
      %mul3A_740 = arith.muli %and3A_737, %mul3A_739 : vector<16xi32>
      tpu.vector_store_idx %arg14[%shift_right_arithmetic3A_734, %mul3A_740], %add3A_120 {add = true} : memref<128x128xi32, #tpu.memory_space<vmem>>[vector<16xi32>, vector<16xi32>], vector<16xi32>,
      %add3A_741 = arith.addi %and3A_13, %while3A_661 : i32
      %get3A_742 = arith.index_cast %add3A_741 : i32 to index
      %get3A_743 = arith.constant 96 : index
      %get3A_744 = tpu.vector_load %arg13[%get3A_742, %get3A_743] {strides = array<i32>} : memref<88x128xi32, #tpu.memory_space<vmem>>, vector<16xi32>,
      %shift_right_arithmetic3A_745 = arith.constant 3 : i32
      %shift_right_arithmetic3A_746 = vector.broadcast %shift_right_arithmetic3A_745 : i32 to vector<16xi32>
      %shift_right_arithmetic3A_747 = arith.shrsi %get3A_744, %shift_right_arithmetic3A_746 : vector<16xi32>
      %and3A_748 = arith.constant 7 : i32
      %and3A_749 = vector.broadcast %and3A_748 : i32 to vector<16xi32>
      %and3A_750 = arith.andi %get3A_744, %and3A_749 : vector<16xi32>
      %mul3A_751 = arith.constant 16 : i32
      %mul3A_752 = vector.broadcast %mul3A_751 : i32 to vector<16xi32>
      %mul3A_753 = arith.muli %and3A_750, %mul3A_752 : vector<16xi32>
      tpu.vector_store_idx %arg14[%shift_right_arithmetic3A_747, %mul3A_753], %add3A_120 {add = true} : memref<128x128xi32, #tpu.memory_space<vmem>>[vector<16xi32>, vector<16xi32>], vector<16xi32>,
      %add3A_754 = arith.addi %and3A_13, %while3A_661 : i32
      %get3A_755 = arith.index_cast %add3A_754 : i32 to index
      %get3A_756 = arith.constant 112 : index
      %get3A_757 = tpu.vector_load %arg13[%get3A_755, %get3A_756] {strides = array<i32>} : memref<88x128xi32, #tpu.memory_space<vmem>>, vector<16xi32>,
      %shift_right_arithmetic3A_758 = arith.constant 3 : i32
      %shift_right_arithmetic3A_759 = vector.broadcast %shift_right_arithmetic3A_758 : i32 to vector<16xi32>
      %shift_right_arithmetic3A_760 = arith.shrsi %get3A_757, %shift_right_arithmetic3A_759 : vector<16xi32>
      %and3A_761 = arith.constant 7 : i32
      %and3A_762 = vector.broadcast %and3A_761 : i32 to vector<16xi32>
      %and3A_763 = arith.andi %get3A_757, %and3A_762 : vector<16xi32>
      %mul3A_764 = arith.constant 16 : i32
      %mul3A_765 = vector.broadcast %mul3A_764 : i32 to vector<16xi32>
      %mul3A_766 = arith.muli %and3A_763, %mul3A_765 : vector<16xi32>
      tpu.vector_store_idx %arg14[%shift_right_arithmetic3A_760, %mul3A_766], %add3A_120 {add = true} : memref<128x128xi32, #tpu.memory_space<vmem>>[vector<16xi32>, vector<16xi32>], vector<16xi32>,
      %while3A_767 = arith.constant 0 : i32
      scf.yield %while3A_767 : i32
    }
    %while3A_658 = arith.constant 1 : i32
    %while3A_659 = scf.for %while3A_661 = %while3A_655 to %while3A_651 step %while3A_658 iter_args(%while3A_662 = %while3A_657) -> (i32)  : i32 {
      %add3A_663 = arith.addi %and3A_13, %while3A_661 : i32
      %get3A_664 = arith.index_cast %add3A_663 : i32 to index
      %get3A_665 = arith.constant 0 : index
      %get3A_666 = tpu.vector_load %arg13[%get3A_664, %get3A_665] {strides = array<i32>} : memref<88x128xi32, #tpu.memory_space<vmem>>, vector<16xi32>,
      %shift_right_arithmetic3A_667 = arith.constant 3 : i32
      %shift_right_arithmetic3A_668 = vector.broadcast %shift_right_arithmetic3A_667 : i32 to vector<16xi32>
      %shift_right_arithmetic3A_669 = arith.shrsi %get3A_666, %shift_right_arithmetic3A_668 : vector<16xi32>
      %and3A_670 = arith.constant 7 : i32
      %and3A_671 = vector.broadcast %and3A_670 : i32 to vector<16xi32>
      %and3A_672 = arith.andi %get3A_666, %and3A_671 : vector<16xi32>
      %mul3A_673 = arith.constant 16 : i32
      %mul3A_674 = vector.broadcast %mul3A_673 : i32 to vector<16xi32>
      %mul3A_675 = arith.muli %and3A_672, %mul3A_674 : vector<16xi32>
      tpu.vector_store_idx %arg14[%shift_right_arithmetic3A_669, %mul3A_675], %add3A_120 {add = true} : memref<128x128xi32, #tpu.memory_space<vmem>>[vector<16xi32>, vector<16xi32>], vector<16xi32>,
      %add3A_676 = arith.addi %and3A_13, %while3A_661 : i32
      %get3A_677 = arith.index_cast %add3A_676 : i32 to index
      %get3A_678 = arith.constant 16 : index
      %get3A_679 = tpu.vector_load %arg13[%get3A_677, %get3A_678] {strides = array<i32>} : memref<88x128xi32, #tpu.memory_space<vmem>>, vector<16xi32>,
      %shift_right_arithmetic3A_680 = arith.constant 3 : i32
      %shift_right_arithmetic3A_681 = vector.broadcast %shift_right_arithmetic3A_680 : i32 to vector<16xi32>
      %shift_right_arithmetic3A_682 = arith.shrsi %get3A_679, %shift_right_arithmetic3A_681 : vector<16xi32>
      %and3A_683 = arith.constant 7 : i32
      %and3A_684 = vector.broadcast %and3A_683 : i32 to vector<16xi32>
      %and3A_685 = arith.andi %get3A_679, %and3A_684 : vector<16xi32>
      %mul3A_686 = arith.constant 16 : i32
      %mul3A_687 = vector.broadcast %mul3A_686 : i32 to vector<16xi32>
      %mul3A_688 = arith.muli %and3A_685, %mul3A_687 : vector<16xi32>
      tpu.vector_store_idx %arg14[%shift_right_arithmetic3A_682, %mul3A_688], %add3A_120 {add = true} : memref<128x128xi32, #tpu.memory_space<vmem>>[vector<16xi32>, vector<16xi32>], vector<16xi32>,
      %add3A_689 = arith.addi %and3A_13, %while3A_661 : i32
      %get3A_690 = arith.index_cast %add3A_689 : i32 to index
      %get3A_691 = arith.constant 32 : index
      %get3A_692 = tpu.vector_load %arg13[%get3A_690, %get3A_691] {strides = array<i32>} : memref<88x128xi32, #tpu.memory_space<vmem>>, vector<16xi32>,
      %shift_right_arithmetic3A_693 = arith.constant 3 : i32
      %shift_right_arithmetic3A_694 = vector.broadcast %shift_right_arithmetic3A_693 : i32 to vector<16xi32>
      %shift_right_arithmetic3A_695 = arith.shrsi %get3A_692, %shift_right_arithmetic3A_694 : vector<16xi32>
      %and3A_696 = arith.constant 7 : i32
      %and3A_697 = vector.broadcast %and3A_696 : i32 to vector<16xi32>
      %and3A_698 = arith.andi %get3A_692, %and3A_697 : vector<16xi32>
      %mul3A_699 = arith.constant 16 : i32
      %mul3A_700 = vector.broadcast %mul3A_699 : i32 to vector<16xi32>
      %mul3A_701 = arith.muli %and3A_698, %mul3A_700 : vector<16xi32>
      tpu.vector_store_idx %arg14[%shift_right_arithmetic3A_695, %mul3A_701], %add3A_120 {add = true} : memref<128x128xi32, #tpu.memory_space<vmem>>[vector<16xi32>, vector<16xi32>], vector<16xi32>,
      %add3A_702 = arith.addi %and3A_13, %while3A_661 : i32
      %get3A_703 = arith.index_cast %add3A_702 : i32 to index
      %get3A_704 = arith.constant 48 : index
      %get3A_705 = tpu.vector_load %arg13[%get3A_703, %get3A_704] {strides = array<i32>} : memref<88x128xi32, #tpu.memory_space<vmem>>, vector<16xi32>,
      %shift_right_arithmetic3A_706 = arith.constant 3 : i32
      %shift_right_arithmetic3A_707 = vector.broadcast %shift_right_arithmetic3A_706 : i32 to vector<16xi32>
      %shift_right_arithmetic3A_708 = arith.shrsi %get3A_705, %shift_right_arithmetic3A_707 : vector<16xi32>
      %and3A_709 = arith.constant 7 : i32
      %and3A_710 = vector.broadcast %and3A_709 : i32 to vector<16xi32>
      %and3A_711 = arith.andi %get3A_705, %and3A_710 : vector<16xi32>
      %mul3A_712 = arith.constant 16 : i32
      %mul3A_713 = vector.broadcast %mul3A_712 : i32 to vector<16xi32>
      %mul3A_714 = arith.muli %and3A_711, %mul3A_713 : vector<16xi32>
      tpu.vector_store_idx %arg14[%shift_right_arithmetic3A_708, %mul3A_714], %add3A_120 {add = true} : memref<128x128xi32, #tpu.memory_space<vmem>>[vector<16xi32>, vector<16xi32>], vector<16xi32>,
      %add3A_715 = arith.addi %and3A_13, %while3A_661 : i32
      %get3A_716 = arith.index_cast %add3A_715 : i32 to index
      %get3A_717 = arith.constant 64 : index
      %get3A_718 = tpu.vector_load %arg13[%get3A_716, %get3A_717] {strides = array<i32>} : memref<88x128xi32, #tpu.memory_space<vmem>>, vector<16xi32>,
      %shift_right_arithmetic3A_719 = arith.constant 3 : i32
      %shift_right_arithmetic3A_720 = vector.broadcast %shift_right_arithmetic3A_719 : i32 to vector<16xi32>
      %shift_right_arithmetic3A_721 = arith.shrsi %get3A_718, %shift_right_arithmetic3A_720 : vector<16xi32>
      %and3A_722 = arith.constant 7 : i32
      %and3A_723 = vector.broadcast %and3A_722 : i32 to vector<16xi32>
      %and3A_724 = arith.andi %get3A_718, %and3A_723 : vector<16xi32>
      %mul3A_725 = arith.constant 16 : i32
      %mul3A_726 = vector.broadcast %mul3A_725 : i32 to vector<16xi32>
      %mul3A_727 = arith.muli %and3A_724, %mul3A_726 : vector<16xi32>
      tpu.vector_store_idx %arg14[%shift_right_arithmetic3A_721, %mul3A_727], %add3A_120 {add = true} : memref<128x128xi32, #tpu.memory_space<vmem>>[vector<16xi32>, vector<16xi32>], vector<16xi32>,
      %add3A_728 = arith.addi %and3A_13, %while3A_661 : i32
      %get3A_729 = arith.index_cast %add3A_728 : i32 to index
      %get3A_730 = arith.constant 80 : index
      %get3A_731 = tpu.vector_load %arg13[%get3A_729, %get3A_730] {strides = array<i32>} : memref<88x128xi32, #tpu.memory_space<vmem>>, vector<16xi32>,
      %shift_right_arithmetic3A_732 = arith.constant 3 : i32
      %shift_right_arithmetic3A_733 = vector.broadcast %shift_right_arithmetic3A_732 : i32 to vector<16xi32>
      %shift_right_arithmetic3A_734 = arith.shrsi %get3A_731, %shift_right_arithmetic3A_733 : vector<16xi32>
      %and3A_735 = arith.constant 7 : i32
      %and3A_736 = vector.broadcast %and3A_735 : i32 to vector<16xi32>
      %and3A_737 = arith.andi %get3A_731, %and3A_736 : vector<16xi32>
      %mul3A_738 = arith.constant 16 : i32
      %mul3A_739 = vector.broadcast %mul3A_738 : i32 to vector<16xi32>
      %mul3A_740 = arith.muli %and3A_737, %mul3A_739 : vector<16xi32>
      tpu.vector_store_idx %arg14[%shift_right_arithmetic3A_734, %mul3A_740], %add3A_120 {add = true} : memref<128x128xi32, #tpu.memory_space<vmem>>[vector<16xi32>, vector<16xi32>], vector<16xi32>,
      %add3A_741 = arith.addi %and3A_13, %while3A_661 : i32
      %get3A_742 = arith.index_cast %add3A_741 : i32 to index
      %get3A_743 = arith.constant 96 : index
      %get3A_744 = tpu.vector_load %arg13[%get3A_742, %get3A_743] {strides = array<i32>} : memref<88x128xi32, #tpu.memory_space<vmem>>, vector<16xi32>,
      %shift_right_arithmetic3A_745 = arith.constant 3 : i32
      %shift_right_arithmetic3A_746 = vector.broadcast %shift_right_arithmetic3A_745 : i32 to vector<16xi32>
      %shift_right_arithmetic3A_747 = arith.shrsi %get3A_744, %shift_right_arithmetic3A_746 : vector<16xi32>
      %and3A_748 = arith.constant 7 : i32
      %and3A_749 = vector.broadcast %and3A_748 : i32 to vector<16xi32>
      %and3A_750 = arith.andi %get3A_744, %and3A_749 : vector<16xi32>
      %mul3A_751 = arith.constant 16 : i32
      %mul3A_752 = vector.broadcast %mul3A_751 : i32 to vector<16xi32>
      %mul3A_753 = arith.muli %and3A_750, %mul3A_752 : vector<16xi32>
      tpu.vector_store_idx %arg14[%shift_right_arithmetic3A_747, %mul3A_753], %add3A_120 {add = true} : memref<128x128xi32, #tpu.memory_space<vmem>>[vector<16xi32>, vector<16xi32>], vector<16xi32>,
      %add3A_754 = arith.addi %and3A_13, %while3A_661 : i32
      %get3A_755 = arith.index_cast %add3A_754 : i32 to index
      %get3A_756 = arith.constant 112 : index
      %get3A_757 = tpu.vector_load %arg13[%get3A_755, %get3A_756] {strides = array<i32>} : memref<88x128xi32, #tpu.memory_space<vmem>>, vector<16xi32>,
      %shift_right_arithmetic3A_758 = arith.constant 3 : i32
      %shift_right_arithmetic3A_759 = vector.broadcast %shift_right_arithmetic3A_758 : i32 to vector<16xi32>
      %shift_right_arithmetic3A_760 = arith.shrsi %get3A_757, %shift_right_arithmetic3A_759 : vector<16xi32>
      %and3A_761 = arith.constant 7 : i32
      %and3A_762 = vector.broadcast %and3A_761 : i32 to vector<16xi32>
      %and3A_763 = arith.andi %get3A_757, %and3A_762 : vector<16xi32>
      %mul3A_764 = arith.constant 16 : i32
      %mul3A_765 = vector.broadcast %mul3A_764 : i32 to vector<16xi32>
      %mul3A_766 = arith.muli %and3A_763, %mul3A_765 : vector<16xi32>
      tpu.vector_store_idx %arg14[%shift_right_arithmetic3A_760, %mul3A_766], %add3A_120 {add = true} : memref<128x128xi32, #tpu.memory_space<vmem>>[vector<16xi32>, vector<16xi32>], vector<16xi32>,
      %while3A_767 = arith.constant 0 : i32
      scf.yield %while3A_767 : i32
    }
    %run_scoped3A = arith.constant 0 : i32
    "tpu.region"() ({
      %run_scoped3A_661 = tpu.sem_alloc : memref<!tpu.dma_semaphore, #tpu.memory_space<semaphore_mem>>
      %dma_start3A_662 = arith.constant 0 : i32
      %dma_start3A_663 = tpu.memref_slice %arg15[%run_scoped3A, %dma_start3A_662] : memref<1x128xi32, #tpu.memory_space<vmem>> -> memref<1x128xi32, #tpu.memory_space<vmem>>
      %dma_start3A_664 = tpu.memref_squeeze %dma_start3A_663 : memref<1x128xi32, #tpu.memory_space<vmem>> -> memref<128xi32, #tpu.memory_space<vmem>>
      %dma_start3A_665 = arith.constant 0 : i32
      %dma_start3A_666 = arith.constant 0 : i32
      %dma_start3A_667 = tpu.memref_slice %arg7[%dma_start3A_665, %dma_start3A_666] : memref<128x128xi32, #tpu.memory_space<vmem_shared>> -> memref<128x128xi32, #tpu.memory_space<vmem_shared>>
      tpu.enqueue_indirect_dma source(%arg14 : memref<128x128xi32, #tpu.memory_space<vmem>>) target(%dma_start3A_667 : memref<128x128xi32, #tpu.memory_space<vmem_shared>>) offsets(%dma_start3A_664 : memref<128xi32, #tpu.memory_space<vmem>>) semaphore(%run_scoped3A_661 : memref<!tpu.dma_semaphore, #tpu.memory_space<semaphore_mem>>) {add = true}
      %dma_wait3A_668 = arith.constant 0 : i32
      %dma_wait3A_669 = tpu.memref_slice %arg15[%run_scoped3A, %dma_wait3A_668] : memref<1x128xi32, #tpu.memory_space<vmem>> -> memref<1x128xi32, #tpu.memory_space<vmem>>
      %dma_wait3A_670 = tpu.memref_squeeze %dma_wait3A_669 : memref<1x128xi32, #tpu.memory_space<vmem>> -> memref<128xi32, #tpu.memory_space<vmem>>
      %dma_wait3A_671 = arith.constant 0 : i32
      %dma_wait3A_672 = arith.constant 0 : i32
      %dma_wait3A_673 = tpu.memref_slice %arg7[%dma_wait3A_671, %dma_wait3A_672] : memref<128x128xi32, #tpu.memory_space<vmem_shared>> -> memref<128x128xi32, #tpu.memory_space<vmem_shared>>
      tpu.wait_indirect_dma semaphore(%run_scoped3A_661 : memref<!tpu.dma_semaphore, #tpu.memory_space<semaphore_mem>>) src(%arg14 : memref<128x128xi32, #tpu.memory_space<vmem>>) dst(%dma_wait3A_673 : memref<128x128xi32, #tpu.memory_space<vmem_shared>>)
      tpu.yield
    }) : () -> ()
    %barrier3A_660 = arith.constant 0 : index
    tpu.barrier barrier_id(%barrier3A_660)
    "tpu.region"() ({
      %run_scoped3A_661 = tpu.sem_alloc : memref<!tpu.dma_semaphore, #tpu.memory_space<semaphore_mem>>
      %dma_start3A_662 = arith.constant 0 : i32
      %dma_start3A_663 = tpu.memref_slice %arg4[%arg0, %mul3A_115, %dma_start3A_662] : memref<2x1024x128xf32, #tpu.memory_space<hbm>> -> memref<1x64x128xf32, #tpu.memory_space<hbm>>
      %dma_start3A_664 = tpu.memref_squeeze %dma_start3A_663 : memref<1x64x128xf32, #tpu.memory_space<hbm>> -> memref<64x128xf32, #tpu.memory_space<hbm>>
      %dma_start3A_665 = arith.constant 0 : i32
      %dma_start3A_666 = tpu.memref_slice %arg6[%mul3A_115, %dma_start3A_665] : memref<1024x128xf32, #tpu.memory_space<vmem_shared>> -> memref<64x128xf32, #tpu.memory_space<vmem_shared>>
      tpu.enqueue_dma source(%dma_start3A_666 : memref<64x128xf32, #tpu.memory_space<vmem_shared>>) target(%dma_start3A_664 : memref<64x128xf32, #tpu.memory_space<hbm>>) target_semaphore(%run_scoped3A_661 : memref<!tpu.dma_semaphore, #tpu.memory_space<semaphore_mem>>)
      %dma_wait3A_667 = arith.constant 0 : i32
      %dma_wait3A_668 = tpu.memref_slice %arg4[%arg0, %mul3A_115, %dma_wait3A_667] : memref<2x1024x128xf32, #tpu.memory_space<hbm>> -> memref<1x64x128xf32, #tpu.memory_space<hbm>>
      %dma_wait3A_669 = tpu.memref_squeeze %dma_wait3A_668 : memref<1x64x128xf32, #tpu.memory_space<hbm>> -> memref<64x128xf32, #tpu.memory_space<hbm>>
      %dma_wait3A_670 = arith.constant 0 : i32
      %dma_wait3A_671 = tpu.memref_slice %arg6[%mul3A_115, %dma_wait3A_670] : memref<1024x128xf32, #tpu.memory_space<vmem_shared>> -> memref<64x128xf32, #tpu.memory_space<vmem_shared>>
      tpu.wait_dma2 semaphore(%run_scoped3A_661 : memref<!tpu.dma_semaphore, #tpu.memory_space<semaphore_mem>>) src(%dma_wait3A_671 : memref<64x128xf32, #tpu.memory_space<vmem_shared>>) dst(%dma_wait3A_669 : memref<64x128xf32, #tpu.memory_space<hbm>>)
      tpu.yield
    }) : () -> ()
    "tpu.region"() ({
      %run_scoped3A_661 = tpu.sem_alloc : memref<!tpu.dma_semaphore, #tpu.memory_space<semaphore_mem>>
      %dma_start3A_662 = arith.constant 0 : i32
      %dma_start3A_663 = tpu.memref_slice %arg5[%arg0, %mul3A_117, %dma_start3A_662] : memref<2x128x128xi32, #tpu.memory_space<hbm>> -> memref<1x8x128xi32, #tpu.memory_space<hbm>>
      %dma_start3A_664 = tpu.memref_squeeze %dma_start3A_663 : memref<1x8x128xi32, #tpu.memory_space<hbm>> -> memref<8x128xi32, #tpu.memory_space<hbm>>
      %dma_start3A_665 = arith.constant 0 : i32
      %dma_start3A_666 = tpu.memref_slice %arg7[%mul3A_117, %dma_start3A_665] : memref<128x128xi32, #tpu.memory_space<vmem_shared>> -> memref<8x128xi32, #tpu.memory_space<vmem_shared>>
      tpu.enqueue_dma source(%dma_start3A_666 : memref<8x128xi32, #tpu.memory_space<vmem_shared>>) target(%dma_start3A_664 : memref<8x128xi32, #tpu.memory_space<hbm>>) target_semaphore(%run_scoped3A_661 : memref<!tpu.dma_semaphore, #tpu.memory_space<semaphore_mem>>)
      %dma_wait3A_667 = arith.constant 0 : i32
      %dma_wait3A_668 = tpu.memref_slice %arg5[%arg0, %mul3A_117, %dma_wait3A_667] : memref<2x128x128xi32, #tpu.memory_space<hbm>> -> memref<1x8x128xi32, #tpu.memory_space<hbm>>
      %dma_wait3A_669 = tpu.memref_squeeze %dma_wait3A_668 : memref<1x8x128xi32, #tpu.memory_space<hbm>> -> memref<8x128xi32, #tpu.memory_space<hbm>>
      %dma_wait3A_670 = arith.constant 0 : i32
      %dma_wait3A_671 = tpu.memref_slice %arg7[%mul3A_117, %dma_wait3A_670] : memref<128x128xi32, #tpu.memory_space<vmem_shared>> -> memref<8x128xi32, #tpu.memory_space<vmem_shared>>
      tpu.wait_dma2 semaphore(%run_scoped3A_661 : memref<!tpu.dma_semaphore, #tpu.memory_space<semaphore_mem>>) src(%dma_wait3A_671 : memref<8x128xi32, #tpu.memory_space<vmem_shared>>) dst(%dma_wait3A_669 : memref<8x128xi32, #tpu.memory_space<hbm>>)
      tpu.yield
    }) : () -> ()
    return
  }
}

module attributes {stable_mosaic.version = 14 : i64} {
  func.func @_tc_body(%arg0: i32, %arg1: memref<1x1x512xi32, #tpu.memory_space<vmem>>, %arg2: memref<512x128xf32, #tpu.memory_space<vmem>>, %arg3: memref<1024x128xf32, #tpu.memory_space<vmem>>) attributes {dimension_semantics = [#tpu.dimension_semantics<arbitrary>], iteration_bounds = array<i64: 49>, scalar_prefetch = 0 : i64, scratch_operands = 0 : i64, tpu.core_type = #tpu.core_type<tc>, window_params = [{transform_indices = @transform_0, window_bounds = array<i64: 1, 1, 512>}, {transform_indices = @transform_1, window_bounds = array<i64: 512, 128>}, {pipeline_mode = #tpu.pipeline_mode<synchronous>, transform_indices = @transform_2, window_bounds = array<i64: 1024, 128>}]} {
    %eq3A = arith.constant 0 : i32
    %eq3A_0 = arith.cmpi eq, %arg0, %eq3A : i32
    %convert_element_type3A = arith.extui %eq3A_0 : i1 to i32
    %cond3A = arith.constant 0 : i32
    %cond3A_1 = arith.cmpi ne, %convert_element_type3A, %cond3A : i32
    scf.if %cond3A_1 {
      %broadcast_in_dim3A_21 = arith.constant 0.000000e+00 : f32
      %broadcast_in_dim3A_22 = vector.broadcast %broadcast_in_dim3A_21 : f32 to vector<1024x128xf32>
      %swap3A_23 = arith.constant 0 : index
      %swap3A_24 = arith.constant 0 : index
      %swap3A_25 = vector.load %arg3[%swap3A_23, %swap3A_24] : memref<1024x128xf32, #tpu.memory_space<vmem>>, vector<1024x128xf32>
      tpu.vector_store %arg3[%swap3A_23, %swap3A_24], %broadcast_in_dim3A_22 {strides = array<i32>} : memref<1024x128xf32, #tpu.memory_space<vmem>>, vector<1024x128xf32>,
    } else {
    }
    %get3A = arith.constant 0 : index
    %get3A_2 = arith.constant 0 : index
    %get3A_3 = arith.constant 0 : index
    %get3A_4 = vector.load %arg1[%get3A, %get3A_2, %get3A_3] : memref<1x1x512xi32, #tpu.memory_space<vmem>>, vector<1x1x512xi32>
    %get3A_5 = vector.shape_cast %get3A_4 : vector<1x1x512xi32> to vector<512xi32>
    %iota3A = tpu.iota {dimensions = array<i32: 1>} : vector<512x1024xi32>
    %broadcast_in_dim3A = vector.shape_cast %get3A_5 : vector<512xi32> to vector<512x1xi32>
    %eq3A_6 = vector.broadcast %broadcast_in_dim3A : vector<512x1xi32> to vector<512x1024xi32>
    %eq3A_7 = arith.cmpi eq, %iota3A, %eq3A_6 : vector<512x1024xi32>
    %convert_element_type3A_8 = arith.extui %eq3A_7 : vector<512x1024xi1> to vector<512x1024xi32>
    %convert_element_type3A_9 = arith.sitofp %convert_element_type3A_8 : vector<512x1024xi32> to vector<512x1024xf32>
    %convert_element_type3A_10 = arith.truncf %convert_element_type3A_9 : vector<512x1024xf32> to vector<512x1024xbf16>
    %get3A_11 = arith.constant 0 : index
    %get3A_12 = arith.constant 0 : index
    %get3A_13 = vector.load %arg2[%get3A_11, %get3A_12] : memref<512x128xf32, #tpu.memory_space<vmem>>, vector<512x128xf32>
    %convert_element_type3A_14 = arith.truncf %get3A_13 : vector<512x128xf32> to vector<512x128xbf16>
    %get3A_15 = arith.constant 0 : index
    %get3A_16 = arith.constant 0 : index
    %get3A_17 = vector.load %arg3[%get3A_15, %get3A_16] : memref<1024x128xf32, #tpu.memory_space<vmem>>, vector<1024x128xf32>
    %dot_general3A = arith.constant dense<0.000000e+00> : vector<1024x128xf32>
    %dot_general3A_18 = tpu.matmul %convert_element_type3A_10, %convert_element_type3A_14, %dot_general3A {dimension_numbers = #tpu.dot_dimension_numbers<[0], [0], [1], [1], [0, 1, 1, 1], [], []>, transpose_lhs_hint = false} : vector<512x1024xbf16>, vector<512x128xbf16>, vector<1024x128xf32> -> vector<1024x128xf32>
    %add3A = arith.addf %get3A_17, %dot_general3A_18 : vector<1024x128xf32>
    %swap3A = arith.constant 0 : index
    %swap3A_19 = arith.constant 0 : index
    %swap3A_20 = vector.load %arg3[%swap3A, %swap3A_19] : memref<1024x128xf32, #tpu.memory_space<vmem>>, vector<1024x128xf32>
    tpu.vector_store %arg3[%swap3A, %swap3A_19], %add3A {strides = array<i32>} : memref<1024x128xf32, #tpu.memory_space<vmem>>, vector<1024x128xf32>,
    return
  }
  func.func @transform_0(%arg0: i32) -> (i32, i32, i32) {
    %c0_i32 = arith.constant 0 : i32
    %c0_i32_0 = arith.constant 0 : i32
    %c0_i32_1 = arith.constant 0 : i32
    return %arg0, %c0_i32, %c0_i32_0 : i32, i32, i32
  }
  func.func @transform_1(%arg0: i32) -> (i32, i32) {
    %add3A = arith.constant 576 : i32
    %add3A_0 = arith.addi %add3A, %arg0 : i32
    %c0_i32 = arith.constant 0 : i32
    %c0_i32_1 = arith.constant 0 : i32
    return %add3A_0, %c0_i32 : i32, i32
  }
  func.func @transform_2(%arg0: i32) -> (i32, i32) {
    %c0_i32 = arith.constant 0 : i32
    %c0_i32_0 = arith.constant 0 : i32
    %c0_i32_1 = arith.constant 0 : i32
    return %c0_i32, %c0_i32_0 : i32, i32
  }
}

module attributes {stable_mosaic.version = 14 : i64} {
  func.func @_combine_body(%arg0: memref<2x1024x128xf32, #tpu.memory_space<vmem>>, %arg1: memref<1024x128xf32, #tpu.memory_space<vmem>>, %arg2: memref<2x1024xi32, #tpu.memory_space<vmem>>, %arg3: memref<1024x128xf32, #tpu.memory_space<vmem>>) attributes {dimension_semantics = [], scalar_prefetch = 0 : i64, scratch_operands = 0 : i64, tpu.core_type = #tpu.core_type<tc>} {
    %get3A = arith.constant 0 : index
    %get3A_0 = arith.constant 0 : index
    %get3A_1 = arith.constant 0 : index
    %get3A_2 = vector.load %arg0[%get3A, %get3A_0, %get3A_1] : memref<2x1024x128xf32, #tpu.memory_space<vmem>>, vector<2x1024x128xf32>
    %get3A_3 = arith.constant 0 : index
    %get3A_4 = arith.constant 0 : index
    %get3A_5 = vector.load %arg2[%get3A_3, %get3A_4] : memref<2x1024xi32, #tpu.memory_space<vmem>>, vector<2x1024xi32>
    %slice3A = vector.extract_strided_slice %get3A_2 {offsets = [0, 0, 0], sizes = [1, 1024, 128], strides = [1, 1, 1]} : vector<2x1024x128xf32> to vector<1x1024x128xf32>
    %squeeze3A = vector.shape_cast %slice3A : vector<1x1024x128xf32> to vector<1024x128xf32>
    %slice3A_6 = vector.extract_strided_slice %get3A_2 {offsets = [1, 0, 0], sizes = [1, 1024, 128], strides = [1, 1, 1]} : vector<2x1024x128xf32> to vector<1x1024x128xf32>
    %squeeze3A_7 = vector.shape_cast %slice3A_6 : vector<1x1024x128xf32> to vector<1024x128xf32>
    %add3A = arith.addf %squeeze3A, %squeeze3A_7 : vector<1024x128xf32>
    %get3A_8 = arith.constant 0 : index
    %get3A_9 = arith.constant 0 : index
    %get3A_10 = vector.load %arg1[%get3A_8, %get3A_9] : memref<1024x128xf32, #tpu.memory_space<vmem>>, vector<1024x128xf32>
    %add3A_11 = arith.addf %add3A, %get3A_10 : vector<1024x128xf32>
    %slice3A_12 = vector.extract_strided_slice %get3A_5 {offsets = [0, 0], sizes = [1, 1024], strides = [1, 1]} : vector<2x1024xi32> to vector<1x1024xi32>
    %squeeze3A_13 = vector.shape_cast %slice3A_12 : vector<1x1024xi32> to vector<1024xi32>
    %slice3A_14 = vector.extract_strided_slice %get3A_5 {offsets = [1, 0], sizes = [1, 1024], strides = [1, 1]} : vector<2x1024xi32> to vector<1x1024xi32>
    %squeeze3A_15 = vector.shape_cast %slice3A_14 : vector<1x1024xi32> to vector<1024xi32>
    %add3A_16 = arith.addi %squeeze3A_13, %squeeze3A_15 : vector<1024xi32>
    %convert_element_type3A = arith.sitofp %add3A_16 : vector<1024xi32> to vector<1024xf32>
    %max3A = arith.constant 1.000000e+00 : f32
    %max3A_17 = vector.broadcast %max3A : f32 to vector<1024xf32>
    %max3A_18 = arith.maximumf %convert_element_type3A, %max3A_17 : vector<1024xf32>
    %broadcast_in_dim3A = vector.shape_cast %max3A_18 : vector<1024xf32> to vector<1024x1xf32>
    %div3A = vector.broadcast %broadcast_in_dim3A : vector<1024x1xf32> to vector<1024x128xf32>
    %div3A_19 = arith.divf %add3A_11, %div3A : vector<1024x128xf32>
    %swap3A = arith.constant 0 : index
    %swap3A_20 = arith.constant 0 : index
    %swap3A_21 = vector.load %arg3[%swap3A, %swap3A_20] : memref<1024x128xf32, #tpu.memory_space<vmem>>, vector<1024x128xf32>
    tpu.vector_store %arg3[%swap3A, %swap3A_20], %div3A_19 {strides = array<i32>} : memref<1024x128xf32, #tpu.memory_space<vmem>>, vector<1024x128xf32>,
    return
  }
}

</mosaic_0001>

<sc_bundles>
// kernel: kernel.5.cloned.1.call-start
scs
__scs_entry_jumppad:
0x0: {  	(pc) =	sbr.rel $0x88, $3  }
0x1: {  	(tag) =	ssettag $0x0;
	lr =	simm.s32 $0x1  }
0x2: {  	[smem:$0x3F9F] =	sst lr;
	_ =	strace $0xD0000000  }
0x3: {  	_ = 	snop  }
0x4: {  	_ = 	snop  }
0x5: {  	_ = 	snop  }
0x6: {  	_ = 	snop  }
0x7: {  	_ = 	snop  }
__scs_overlays_trampoline_lowered:
0x8: {  	[smem:$0x3FAE] =	sst s0  }
0x9: {  	[smem:$0x3FAF] =	sst s1  }
0xa: {  	[smem:$0x3FB0] =	sst s2  }
0xb: {  	[smem:$0x3FB1] =	sst s3  }
0xc: {  	[smem:$0x3FB2] =	sst s4  }
0xd: {  	[smem:$0x3FB3] =	sst s5  }
0xe: {  	[smem:$0x3FB4] =	sst s6  }
0xf: {  	[smem:$0x3FB5] =	sst s7  }
0x10: {  	[smem:$0x3FB6] =	sst s8  }
0x11: {  	[smem:$0x3FB7] =	sst s9;
	s0 =	simm.s32 @!p0 $0x0  }
0x12: {  	s1 =	sld [smem:$0x3F9D];
	s0 =	simm.s32 @p0 $0x1  }
0x13: {  	[smem:$0x3FB8] =	sst s0;
	s0 =	simm.s32 @!p1 $0x0  }
0x14: {  	s2 =	sld [smem:$0x3F9C];
	s0 =	simm.s32 @p1 $0x1  }
0x15: {  	[smem:$0x3FB9] =	sst s0;
	s0 =	simm.s32 @!p2 $0x0  }
0x16: {  	s3 =	sld [smem:$0x3FDB];
	s0 =	simm.s32 @p2 $0x1  }
0x17: {  	s4 =	simm.s32 $0x1BF5;
	[smem:$0x3FBB] =	sst s0  }
0x18: {  	s0 =	sld [smem:$0x3F9E];
	_ =	swait.ge [sflag:s4], $0x0  }
0x19: {  	s7 =	sld [smem:$0x3F9F]  }
0x1a: {  	s8 =	sadd.s32 $0xFFFFE003, lr  }
0x1b: {  	s9 =	sadd.s32 $0xFFFFFEF7, lr;
	s5 =	simm.s32 $0xFFFFFFFF;
	p2 =	slt.u32 s8, $0xFFFFF086  }
0x1c: {  	p1 =	slt.u32 s9, $0xF7A;
	s5 =	simm.s32 @!p2 $0x0  }
0x1d: {  	s5 =	simm.s32 @p1 $0x1;
	p0 =	seq.s32 s7, s2  }
0x1e: {  	s7 =	smul.u32 @!p0 $0xF7A, s2;
	p2 =	seq.s32 @!p0 s5, $0x0  }
0x1f: {  	s9 =	smul.u32 $0xF7A, s1;
	s8 =	simm.s32 @!p0 $0x1BF5;
	p2 =	por !p2, p0  }
0x20: {  	[sflag:s8] =	ssyncset.s32 @!p0 $0xFFFFF086;
	s6 =	sadd.s32 @!p0 s3, s7;
	s7 =	simm.s32 @!p0 $0x108  }
0x21: {  	s3 =	sadd.s32 s3, s9;
	s6 =	sadd.s32 @!p0 $0x88, s6;
	s7 =	simm.s32 @p2 $0x1082  }
0x22: {  	[simem:s7], [sflag:s8] =	dma.local @!p0 [hbm:s6], $0xF7A  }
0x23: {  	s9 =	sor.u32 $0xD0000000, s2;
	s6 =	simm.s32 $0x108;
	_ =	swait.ge @!p0 [sflag:s8], $0x0  }
0x24: {  	s3 =	sadd.s32 $0x88, s3;
	s6 =	simm.s32 @!p1 $0x1082;
	[sflag:s4] =	ssyncset.s32 $0xFFFFF086  }
0x25: {  	[simem:s6], [sflag:s4] =	dma.local [hbm:s3], $0xF7A  }
0x26: {  	[smem:$0x3F9F] =	sst s1;
	(tag) =	ssettag s2;
	_ =	strace s9  }
0x27: {  	s1 =	sld [smem:$0x3FAF]  }
0x28: {  	s2 =	sld [smem:$0x3FB0]  }
0x29: {  	s4 =	sld [smem:$0x3FB2]  }
0x2a: {  	p0 =	seq.s32 s5, $0x0;
	s5 =	sld [smem:$0x3FB3]  }
0x2b: {  	s6 =	sld [smem:$0x3FB4]  }
0x2c: {  	s7 =	sld [smem:$0x3FB5]  }
0x2d: {  	s3 =	simm.s32 $0x108;
	s8 =	sld [smem:$0x3FB6]  }
0x2e: {  	s3 =	simm.s32 @!p0 $0x1082;
	s9 =	sld [smem:$0x3FB7]  }
0x2f: {  	lr =	sadd.s32 s0, s3;
	s0 =	sld [smem:$0x3FAE]  }
0x30: {  	s3 =	sld [smem:$0x3FB1]  }
0x31: {  	[smem:$0x3FBA] =	sst s10  }
0x32: {  	s10 =	sld [smem:$0x3FB8];
	_ =	sdelay $0x3  }
0x33: {  	p0 =	seq.s32 s10, $0x1;
	s10 =	sld [smem:$0x3FBA];
	_ =	sdelay $0x3  }
0x34: {  	[smem:$0x3FBA] =	sst s10  }
0x35: {  	s10 =	sld [smem:$0x3FB9];
	_ =	sdelay $0x3  }
0x36: {  	p1 =	seq.s32 s10, $0x1;
	s10 =	sld [smem:$0x3FBA];
	_ =	sdelay $0x3  }
0x37: {  	[smem:$0x3FBA] =	sst s10  }
0x38: {  	s10 =	sld [smem:$0x3FBB]  }
0x39: {  	_ = 	snop;
	(pc) =	sbr.ind lr, $3  }
0x3a: {  	_ = 	snop  }
0x3b: {  	_ = 	snop  }
0x3c: {  	p2 =	seq.s32 s10, $0x1;
	s10 =	sld [smem:$0x3FBA]  }
0x3d: {  	_ =	shalt  }
0x3e: {  	_ =	shalt  }
0x3f: {  	_ =	shalt  }
0x40: {  	_ =	shalt  }
0x41: {  	_ =	shalt  }
0x42: {  	_ =	shalt  }
0x43: {  	_ =	shalt  }
0x44: {  	_ =	shalt  }
0x45: {  	_ =	shalt  }
0x46: {  	_ =	shalt  }
0x47: {  	_ =	shalt  }
0x48: {  	_ =	shalt  }
0x49: {  	_ =	shalt  }
0x4a: {  	_ =	shalt  }
0x4b: {  	_ =	shalt  }
0x4c: {  	_ =	shalt  }
0x4d: {  	_ =	shalt  }
0x4e: {  	_ =	shalt  }
0x4f: {  	_ =	shalt  }
0x50: {  	_ =	shalt  }
0x51: {  	_ =	shalt  }
0x52: {  	_ =	shalt  }
0x53: {  	_ =	shalt  }
0x54: {  	_ =	shalt  }
0x55: {  	_ =	shalt  }
0x56: {  	_ =	shalt  }
0x57: {  	_ =	shalt  }
0x58: {  	_ =	shalt  }
0x59: {  	_ =	shalt  }
0x5a: {  	_ =	shalt  }
0x5b: {  	_ =	shalt  }
0x5c: {  	_ =	shalt  }
0x5d: {  	_ =	shalt  }
0x5e: {  	_ =	shalt  }
0x5f: {  	_ =	shalt  }
0x60: {  	_ =	shalt  }
0x61: {  	_ =	shalt  }
0x62: {  	_ =	shalt  }
0x63: {  	_ =	shalt  }
0x64: {  	_ =	shalt  }
0x65: {  	_ =	shalt  }
0x66: {  	_ =	shalt  }
0x67: {  	_ =	shalt  }
0x68: {  	_ =	shalt  }
0x69: {  	_ =	shalt  }
0x6a: {  	_ =	shalt  }
0x6b: {  	_ =	shalt  }
0x6c: {  	_ =	shalt  }
0x6d: {  	_ =	shalt  }
0x6e: {  	_ =	shalt  }
0x6f: {  	_ =	shalt  }
0x70: {  	_ =	shalt  }
0x71: {  	_ =	shalt  }
0x72: {  	_ =	shalt  }
0x73: {  	_ =	shalt  }
0x74: {  	_ =	shalt  }
0x75: {  	_ =	shalt  }
0x76: {  	_ =	shalt  }
0x77: {  	_ =	shalt  }
0x78: {  	_ =	shalt  }
0x79: {  	_ =	shalt  }
0x7a: {  	_ =	shalt  }
0x7b: {  	_ =	shalt  }
0x7c: {  	_ =	shalt  }
0x7d: {  	_ =	shalt  }
0x7e: {  	_ =	shalt  }
0x7f: {  	_ =	shalt  }
0x80: {  	_ =	shalt  }
0x81: {  	_ =	shalt  }
0x82: {  	_ =	shalt  }
0x83: {  	_ =	shalt  }
0x84: {  	_ =	shalt  }
0x85: {  	_ =	shalt  }
0x86: {  	_ =	shalt  }
0x87: {  	_ =	shalt  }
.Lfunc_end0:
.L_simem_size_0:
called_computation_lowered:
.L_overlay_start_0:
0x88: {  	s2 =	sld [smem:$0x3FD9]  }
0x89: {  	s3 =	sld [smem:$0x3FFE];
	_ =	sdelay $0x1  }
0x8a: {  	s1 =	srdreg.scid  }
0x8b: {  	s0 =	sand.u32 $0x1, s1  }
0x8c: {  	s17 =	sshll.u32 s0, $0xA;
	s2 =	sadd.s32 s3, s2  }
0x8d: {  	s2 =	sadd.s32 s2, s17  }
0x8e: {  	[smem:$0x3FC6] =	sst s2  }
0x8f: {  	_ = 	snop  }
0x90: {  	s2 =	sld [smem:$0x3FC9]  }
0x91: {  	s18 =	sld [smem:$0x3FD0];
	(tm) =	ssettm $0x1  }
0x92: {  	s4 =	sld [smem:$0x3FFB];
	_ =	sdelay $0x3  }
0x93: {  	_ =	strace s4  }
0x94: {  	s4 =	sld [smem:$0x3FFC];
	_ =	sdelay $0x3  }
0x95: {  	_ =	strace s4  }
0x96: {  	s4 =	sld [smem:$0x3FFD];
	_ =	sdelay $0x3  }
0x97: {  	_ =	strace s4  }
0x98: {  	_ =	strace $0x8FFFFFFF  }
0x99: {  	s19 =	sld [smem:$0x3FDB];
	_ =	sdelay $0x1  }
0x9a: {  	s5 =	simm.s32 $_scs_section_size  }
0x9b: {  	s6 =	simm.s32 $_size__tile_overlayer_lowered;
	s7 =	simm.s32 $_tile_overlayer_lowered  }
0x9c: {  	s22 =	simm.s32 $0x1BFF;
	s21 =	sshll.u32 s7, $0x1;
	s4 =	sadd.s32 s5, s19  }
0x9d: {  	s8 =	simm.s32 $0x0;
	s20 =	sshll.u32 s6, $0x1;
	s6 =	sadd.s32 s21, s4  }
0x9e: {  	[timem:s8], [sflag:s22] =	dma.local [hbm:s6], s20  }
0x9f: {  	_ =	swait.ge [sflag:s22], s20  }
0xa0: {  	s5 =	ssub.s32 $0x0, s20;
	[sflag:s22] =	ssyncset.done $0x0  }
0xa1: {  	[sflag:s22] =	ssyncadd.s32 s5;
	_ =	sdelay $0x1  }
0xa2: {  	s23 =	simm.s32 $0x1B8B  }
0xa3: {  	_ =	swait.ge [sflag:s23], $0x1  }
0xa4: {  	[sflag:s23] =	ssyncset.done $0x0  }
0xa5: {  	s25 =	simm.s32 $0x1B8E;
	s24 =	sld [smem:$0x3FFE];
	[sflag:s23] =	ssyncadd.s32 $0xFFFFFFFF  }
0xa6: {  	s26 =	simm.s32 $execute0_lowered;
	[smem:$0x3FD2] =	sst s25  }
0xa7: {  	s6 =	sshll.u32 s26, $0x1;
	_ =	strace $0x80000046;
	[dreg:$0x1] =	wrdreg $0xFFFFFFFF  }
0xa8: {  	s28 =	simm.s32 $_size_execute0_lowered;
	s4 =	sadd.s32 s4, s6;
	[dreg:$0x0] =	wrdreg $0x0  }
0xa9: {  	s6 =	sshll.u32 s28, $0x1;
	[dreg:$0x2] =	wrdreg s4  }
0xaa: {  	[dreg:$0x3] =	wrdreg s6  }
0xab: {  	[dreg:$0x4] =	wrdreg $0xC0  }
0xac: {  	_ =	task [dreg:s8], $0x5FFFF  }
0xad: {  	[dreg:$0x1] =	wrdreg $0xFFFFFFFF  }
0xae: {  	[dreg:$0x0] =	wrdreg $0x60  }
0xaf: {  	[dreg:$0x2] =	wrdreg s2  }
0xb0: {  	[dreg:$0x3] =	wrdreg s24  }
0xb1: {  	[dreg:$0x4] =	wrdreg s18  }
0xb2: {  	[dreg:$0x5] =	wrdreg $0x0  }
0xb3: {  	[dreg:$0x6] =	wrdreg $0x20000  }
0xb4: {  	[dreg:$0x7] =	wrdreg $0x9  }
0xb5: {  	_ =	task.clear_ibuf [dreg:s8], $0x8FFFF;
	_ =	strace $0x90000046  }
0xb6: {  	s29 =	simm.s32 $0x9;
	_ =	strace $0x80000048  }
0xb7: {  	_ =	swait.ge [sflag:s29], $0x1  }
0xb8: {  	[sflag:s29] =	ssyncadd.s32 $0xFFFFFFFF  }
0xb9: {  	_ =	strace $0x90000048  }
0xba: {  	_ =	sfence  }
0xbb: {  	s30 =	sld [smem:$0x0];
	_ =	sdelay $0x2  }
0xbc: {  	s31 =	sshll.u32 s1, $0xD;
	s1 =	sshrl.u32 s1, $0x2  }
0xbd: {  	s3 =	sand.u32 $0x4000, s31;
	s1 =	sadd.s32 s1, s30  }
0xbe: {  	s0 =	sor.u32 s3, s0;
	s1 =	sshll.u32 s1, $0x11  }
0xbf: {  	s0 =	sor.u32 s1, s0  }
0xc0: {  	s0 =	sadd.s32 $0x8F2B, s0  }
0xc1: {  	[sflag:s0] =	ssyncadd.remote.s32 $0x1  }
0xc2: {  	_ =	sfence.sel $0xFFFF  }
0xc3: {  	[dreg:$0x0] =	wrdreg $0xFFFFFFFF;
	(pc) =	sbr.abs _section_cstart, $3  }
0xc4: {  	[dreg:$0x1] =	wrdreg $0xFFFFFFFF  }
0xc5: {  	_ =	task.clear_ibuf [dreg:s8], $0x2FFFF;
	_ =	strace $0x9FFFFFFF  }
0xc6: {  	(tm) =	ssettm $0x7FFFFFFF  }
0xc7: {  	_ =	shalt  }
tec
execute0_lowered:
.L_overlay_start_1:
0x0: {  	(tag) =	ssettag $0x1  }
0x1: {  	s0 =	rddreg [dreg:$0x0]  }
0x2: {  	s2 =	rddreg [dreg:$0x1]  }
0x3: {  	s3 =	rddreg [dreg:$0x2]  }
0x4: {  	s1 =	rddreg [dreg:$0x3]  }
0x5: {  	s12 =	rddreg [dreg:$0x4];
	s5 =	srdreg.scid;
	s4 =	simm.s32 $0x0  }
0x6: {  	s18 =	stileid.u32;
	s29 =	simm.s32 $0x9;
	s30 =	simm.s32 $0x17400  }
0x7: {  	s28 =	simm.s32 $0x80;
	s31 =	simm.s32 $0x2;
	s6 =	sand.u32 $0x1, s5  }
0x8: {  	[smem:$0x7FF] =	sst s4;
	s8 =	sadd.s32 $0xC00, s2;
	s10 =	sshll.u32 s18, $0xA  }
0x9: {  	s20 =	sshll.u32 s18, $0xD;
	s25 =	smul.u32 $0x48, s18;
	s5 =	sshll.u32 s6, $0x4  }
0xa: {  	_ =	strace $0x80000047;
	s16 =	ssub.s32 $0x2, s6;
	s2 =	sadd.s32 s10, s2  }
0xb: {  	s12 =	sadd.s32 s10, s12;
	s23 =	sshll.u32 s6, $0xE;
	s24 =	smul.u32 $0x480, s6  }
0xc: {  	s26 =	sshll.u32 s6, $0xB;
	s10 =	sshll.u32 s18, $0x1;
	s9 =	sor.u32 s18, s5  }
0xd: {  	s11 =	sshrl.u32 s16, $0x1;
	s5 =	simm.s32 $0x7;
	s2 =	sadd.s32 s23, s2  }
0xe: {  	s23 =	simm.s32 $0x2400;
	s7 =	smul.u32 $0x4E, s9;
	s13 =	smin.u32 s9, $0x4  }
0xf: {  	s14 =	ssub.s32 s16, s11;
	s17 =	smul.u32 $0x24000, s9;
	p0 =	slt.u32 s9, $0x4  }
0x10: {  	s11 =	simm.s32 $0x7;
	s9 =	smul.u32 $0x480, s9;
	s2 =	sadd.s32 $0xAA00, s2  }
0x11: {  	s11 =	simm.s32 @!p0 $0x6;
	[dreg:$0xc] =	wrdreg s2;
	s15 =	sadd.s32 s13, s7  }
0x12: {  	[dreg:$0x6] =	wrdreg s11;
	s7 =	sadd.s32 s0, s17;
	s9 =	sadd.s32 s8, s9  }
0x13: {  	s11 =	sadd.s32 s20, s1;
	s19 =	sadd.s32 $0x800, s7;
	[dreg:$0xa] =	wrdreg s9  }
0x14: {  	s16 =	sand.u32 $0x7, s15;
	s17 =	sadd.s32 $0x1000, s7;
	[dreg:$0x7] =	wrdreg s19  }
0x15: {  	s21 =	sadd.s32 $0x1800, s7;
	s22 =	sshll.u32 s15, $0x4;
	[dreg:$0x8] =	wrdreg s17  }
0x16: {  	[dreg:$0x9] =	wrdreg s21;
	s9 =	sand.u32 $0x1FF80, s22;
	s15 =	sshll.u32 s16, $0x7  }
0x17: {  	s17 =	ssub.s32 s13, s10;
	s19 =	smax.u32 s14, $0x1;
	s10 =	simm.s32 $0x8  }
0x18: {  	s13 =	simm.s32 $0x0;
	s8 =	sadd.s32 s8, s9;
	s9 =	sshll.u32 s18, $0x7  }
0x19: {  	s18 =	sand.u32 $0x7, s17;
	[dreg:$0xe] =	wrdreg s19;
	s3 =	sadd.s32 s3, s9  }
0x1a: {  	[dreg:$0xb] =	wrdreg s8;
	s8 =	sadd.s32 s25, s24;
	s2 =	sadd.s32 s26, s3  }
0x1b: {  	s24 =	simm.s32 $0x6400;
	[dreg:$0xd] =	wrdreg s2;
	s2 =	sshll.u32 s18, $0x7  }
0x1c: {  	s25 =	simm.s32 $0xA400;
	s16 =	sshll.u32 s8, $0xB;
	s21 =	sadd.s32 $0x149F0, s2  }
0x1d: {  	v1 =	vimm.s32 $0x0;
	v2 =	vlaneseq.u32;
	s9 =	simm.s32 $0x6;
	s26 =	simm.s32 $0xE400;
	s0 =	sadd.s32 s16, s0;
	v0 =	vmov s21  }
0x1e: {  	v3 =	vimm.f32 $0.0e+00;
	v11 =	vimm.s32 $0x1;
	v4 =	vor.u32 $0x10, v2;
	s3 =	simm.s32 $0x4;
	s8 =	simm.s32 $0x5;
	s20 =	sadd.s32 $0x3800, s0  }
0x1f: {  	v5 =	vor.u32 $0x20, v2;
	v6 =	vor.u32 $0x30, v2;
	v7 =	vor.u32 $0x40, v2;
	s17 =	sadd.s32 $0x3000, s0;
	s16 =	sadd.s32 $0x2000, s0;
	s22 =	sor.u32 $0x16C70, s2  }
0x20: {  	v8 =	vor.u32 $0x50, v2;
	v9 =	vor.u32 $0x60, v2;
	v10 =	vor.u32 $0x70, v2;
	s2 =	simm.s32 $0x1;
	s0 =	simm.s32 $0x3;
	[dreg:$0xf] =	wrdreg s20  }
.LBB2_1:
0x21: {  	[tilespmem:s23], [sflag:$0x1] =	stream.linear.gather [hbm4b:s7+s4], $0x4000, $0x38;
	[tilespmem:$0x1D480] =	vst v63  }
0x22: {  	s6 =	rddreg [dreg:$0x7]  }
0x23: {  	[tilespmem:s24], [sflag:$0x2] =	stream.linear.gather [hbm4b:s6+s4], $0x4000, $0x38;
	[tilespmem:$0x1D480] =	vst v63  }
0x24: {  	s20 =	rddreg [dreg:$0x8]  }
0x25: {  	[tilespmem:s25], [sflag:$0x3] =	stream.linear.gather [hbm4b:s20+s4], $0x4000, $0x38;
	[tilespmem:$0x1D480] =	vst v63  }
0x26: {  	s21 =	rddreg [dreg:$0x9];
	s14 =	simm.s32 $0x0;
	s6 =	simm.s32 $0x0  }
0x27: {  	[tilespmem:s26], [sflag:$0x4] =	stream.linear.gather [hbm4b:s21+s4], $0x4000, $0x38;
	[tilespmem:$0x1D480] =	vst v63  }
.LBB2_2:
0x28: {  	p0 =	sne.s32 s14, $0xFFC0  }
.Ltmp0:
0x29: {  	_ = 	snop;
	(pc) =	sbr.rel @p0 .LBB2_2-.Ltmp0, $4  }
0x2a: {  	s19 =	sand.u32 $0xFE00, s14  }
0x2b: {  	s20 =	sand.u32 $0x70, s6;
	s19 =	sshrl.u32 s19, $0x2  }
0x2c: {  	s19 =	sor.u32 s20, s19  }
0x2d: {  	s6 =	sadd.s32 $0x10, s6;
	s14 =	sadd.s32 $0x40, s14;
	[tilespmem:s19+$0x17400] =	vst v1  }
0x2e: {  	s6 =	simm.s32 $0x0  }
0x2f: {  	s14 =	sand.u32 $0x7E00, s6  }
0x30: {  	s19 =	sand.u32 $0x70, s6;
	s20 =	sshrl.u32 s14, $0x2  }
0x31: {  	s14 =	simm.s32 $0x40;
	s19 =	sor.u32 s19, s20  }
.LBB2_4:
0x32: {  	p0 =	sne.s32 s14, $0x7FC0  }
0x33: {  	[tilespmem:s19+$0x1B480] =	vst v3;
	s6 =	sadd.s32 $0x10, s6;
	s19 =	smov.u32 s14;
	s14 =	sadd.s32 $0x40, s14  }
.Ltmp1:
0x34: {  	(pc) =	sbr.rel @p0 .LBB2_4-.Ltmp1, $4  }
0x35: {  	_ = 	snop  }
0x36: {  	s19 =	sand.u32 $0x7E00, s19  }
0x37: {  	s20 =	sand.u32 $0x70, s6;
	s19 =	sshrl.u32 s19, $0x2  }
0x38: {  	s19 =	sor.u32 s20, s19  }
0x39: {  	[tilespmem:s19+$0x1B480] =	vst v3  }
0x3a: {  	[tilespmem:$0x1B400] =	vst v2  }
0x3b: {  	[tilespmem:$0x1B410] =	vst v4  }
0x3c: {  	[tilespmem:$0x1B420] =	vst v5  }
0x3d: {  	[tilespmem:$0x1B430] =	vst v6  }
0x3e: {  	[tilespmem:$0x1B440] =	vst v7  }
0x3f: {  	[tilespmem:$0x1B450] =	vst v8  }
0x40: {  	[tilespmem:$0x1B460] =	vst v9  }
0x41: {  	s6 =	simm.s32 $0x1B480;
	[tilespmem:$0x1B470] =	vst v10  }
0x42: {  	[spmem:s11] =	stream.linear.scatter [tilespmem:s6], [sflag:$0x9], $0x2000, $0x38;
	[tilespmem:$0x1D480] =	vst v63  }
0x43: {  	_ =	swait.ge [sflag:s29], $0x2000  }
0x44: {  	[sflag:s29] =	ssyncset.done $0x0  }
0x45: {  	[sflag:s29] =	ssyncadd.s32 $0xFFFFE000  }
0x46: {  	[spmem:s12] =	stream.linear.scatter [tilespmem:s30], [sflag:$0x9], $0x400, $0x38;
	[tilespmem:$0x1D480] =	vst v63  }
0x47: {  	_ =	swait.ge [sflag:s29], $0x400  }
0x48: {  	[sflag:s29] =	ssyncset.done $0x0  }
0x49: {  	[sflag:s29] =	ssyncadd.s32 $0xFFFFFC00  }
0x4a: {  	[bflag:$0x0] =	sbarrier.arrive $0xFFFF  }
0x4b: {  	s14 =	simm.s32 $0x0;
	s18 =	simm.s32 $0x12400;
	s19 =	rddreg [dreg:$0xa]  }
0x4c: {  	[tilespmem:s18], [sflag:$0x9] =	stream.linear.gather [hbm4b:s19+s14], $0x2400, $0x38;
	[tilespmem:$0x1D480] =	vst v63  }
0x4d: {  	_ =	swait.ge [sflag:s29], $0x2400  }
0x4e: {  	[sflag:s29] =	ssyncset.done $0x0  }
0x4f: {  	s21 =	simm.s32 $0x14800;
	s20 =	rddreg [dreg:$0xb];
	[sflag:s29] =	ssyncadd.s32 $0xFFFFDC00  }
0x50: {  	[tilespmem:s21], [sflag:$0x9] =	stream.linear.gather [hbm4b:s20+s14], $0x2C00, $0x38;
	[tilespmem:$0x1D480] =	vst v63  }
0x51: {  	_ =	swait.ge [sflag:s29], $0x2C00  }
0x52: {  	s21 =	smov.u32 s16;
	[sflag:s29] =	ssyncset.done $0x0  }
0x53: {  	s20 =	smov.u32 s17;
	s19 =	rddreg [dreg:$0xf];
	[sflag:s29] =	ssyncadd.s32 $0xFFFFD400  }
.LBB2_6:
0x54: {  	s6 =	sshra.s32 s14, $0x2  }
0x55: {  	v12 =	vld.idx.msk [tilespmem:v0+s6+$0xFFFFFE10 ss:$0x1], $0xffff;
	_ =	sdelay $0x4  }
0x56: {  	v12 =	vshll.u32 v12, $0x4;
	_ =	sdelay $0x4  }
0x57: {  	[tilespmem:v12+s30+$0x0] =	vst.idx.add.s32.msk $0xffff, v11  }
0x58: {  	v12 =	vld.idx.msk [tilespmem:v0+s6+$0xFFFFFE20 ss:$0x1], $0xffff;
	_ =	sdelay $0x4  }
0x59: {  	v12 =	vshll.u32 v12, $0x4;
	_ =	sdelay $0x4  }
0x5a: {  	[tilespmem:v12+s30+$0x0] =	vst.idx.add.s32.msk $0xffff, v11  }
0x5b: {  	v12 =	vld.idx.msk [tilespmem:v0+s6+$0xFFFFFE30 ss:$0x1], $0xffff;
	_ =	sdelay $0x4  }
0x5c: {  	v12 =	vshll.u32 v12, $0x4;
	_ =	sdelay $0x4  }
0x5d: {  	[tilespmem:v12+s30+$0x0] =	vst.idx.add.s32.msk $0xffff, v11  }
0x5e: {  	v12 =	vld.idx.msk [tilespmem:v0+s6+$0xFFFFFE40 ss:$0x1], $0xffff;
	_ =	sdelay $0x4  }
0x5f: {  	v12 =	vshll.u32 v12, $0x4;
	_ =	sdelay $0x4  }
0x60: {  	[tilespmem:v12+s30+$0x0] =	vst.idx.add.s32.msk $0xffff, v11  }
0x61: {  	v12 =	vld.idx.msk [tilespmem:v0+s6+$0xFFFFFE50 ss:$0x1], $0xffff;
	_ =	sdelay $0x4  }
0x62: {  	v12 =	vshll.u32 v12, $0x4;
	_ =	sdelay $0x4  }
0x63: {  	[tilespmem:v12+s30+$0x0] =	vst.idx.add.s32.msk $0xffff, v11  }
0x64: {  	v12 =	vld.idx.msk [tilespmem:v0+s6+$0xFFFFFE60 ss:$0x1], $0xffff;
	_ =	sdelay $0x4  }
0x65: {  	v12 =	vshll.u32 v12, $0x4;
	_ =	sdelay $0x4  }
0x66: {  	[tilespmem:v12+s30+$0x0] =	vst.idx.add.s32.msk $0xffff, v11  }
0x67: {  	v12 =	vld.idx.msk [tilespmem:v0+s6+$0xFFFFFE70 ss:$0x1], $0xffff;
	_ =	sdelay $0x4  }
0x68: {  	v12 =	vshll.u32 v12, $0x4;
	_ =	sdelay $0x4  }
0x69: {  	[tilespmem:v12+s30+$0x0] =	vst.idx.add.s32.msk $0xffff, v11  }
0x6a: {  	v12 =	vld.idx.msk [tilespmem:v0+s6+$0xFFFFFE80 ss:$0x1], $0xffff;
	_ =	sdelay $0x4  }
0x6b: {  	v12 =	vshll.u32 v12, $0x4;
	_ =	sdelay $0x4  }
0x6c: {  	[tilespmem:v12+s30+$0x0] =	vst.idx.add.s32.msk $0xffff, v11  }
0x6d: {  	_ =	swait.ge [sflag:s2], $0x4000  }
0x6e: {  	[sflag:s2] =	ssyncset.done $0x0  }
0x6f: {  	s18 =	sadd.s32 $0x12400, s6;
	[sflag:s2] =	ssyncadd.s32 $0xFFFFC000  }
0x70: {  	[spmem:s1] =	stream.indirect.scatter.add.f32 [tilespmem:s23], [sflag:$0x5], $0x80, s18, s28, $0xb8;
	[tilespmem:$0x1D480] =	vst v63  }
0x71: {  	v61 =	vld.idx.msk [tilespmem:v0+s6+$0xFFFFFE90 ss:$0x1], $0xffff;
	_ =	sdelay $0x4  }
0x72: {  	v12 =	vshll.u32 v61, $0x4;
	_ =	sdelay $0x4  }
0x73: {  	[tilespmem:v12+s30+$0x0] =	vst.idx.add.s32.msk $0xffff, v11  }
0x74: {  	v12 =	vld.idx.msk [tilespmem:v0+s6+$0xFFFFFEA0 ss:$0x1], $0xffff;
	_ =	sdelay $0x4  }
0x75: {  	v12 =	vshll.u32 v12, $0x4;
	_ =	sdelay $0x4  }
0x76: {  	[tilespmem:v12+s30+$0x0] =	vst.idx.add.s32.msk $0xffff, v11  }
0x77: {  	v12 =	vld.idx.msk [tilespmem:v0+s6+$0xFFFFFEB0 ss:$0x1], $0xffff;
	_ =	sdelay $0x4  }
0x78: {  	v12 =	vshll.u32 v12, $0x4;
	_ =	sdelay $0x4  }
0x79: {  	[tilespmem:v12+s30+$0x0] =	vst.idx.add.s32.msk $0xffff, v11  }
0x7a: {  	v12 =	vld.idx.msk [tilespmem:v0+s6+$0xFFFFFEC0 ss:$0x1], $0xffff;
	_ =	sdelay $0x4  }
0x7b: {  	v12 =	vshll.u32 v12, $0x4;
	_ =	sdelay $0x4  }
0x7c: {  	[tilespmem:v12+s30+$0x0] =	vst.idx.add.s32.msk $0xffff, v11  }
0x7d: {  	v12 =	vld.idx.msk [tilespmem:v0+s6+$0xFFFFFED0 ss:$0x1], $0xffff;
	_ =	sdelay $0x4  }
0x7e: {  	v12 =	vshll.u32 v12, $0x4;
	_ =	sdelay $0x4  }
0x7f: {  	[tilespmem:v12+s30+$0x0] =	vst.idx.add.s32.msk $0xffff, v11  }
0x80: {  	v12 =	vld.idx.msk [tilespmem:v0+s6+$0xFFFFFEE0 ss:$0x1], $0xffff;
	_ =	sdelay $0x4  }
0x81: {  	v12 =	vshll.u32 v12, $0x4;
	_ =	sdelay $0x4  }
0x82: {  	[tilespmem:v12+s30+$0x0] =	vst.idx.add.s32.msk $0xffff, v11  }
0x83: {  	v12 =	vld.idx.msk [tilespmem:v0+s6+$0xFFFFFEF0 ss:$0x1], $0xffff;
	_ =	sdelay $0x4  }
0x84: {  	v12 =	vshll.u32 v12, $0x4;
	_ =	sdelay $0x4  }
0x85: {  	[tilespmem:v12+s30+$0x0] =	vst.idx.add.s32.msk $0xffff, v11  }
0x86: {  	v12 =	vld.idx.msk [tilespmem:v0+s6+$0xFFFFFF00 ss:$0x1], $0xffff;
	_ =	sdelay $0x4  }
0x87: {  	v12 =	vshll.u32 v12, $0x4;
	_ =	sdelay $0x4  }
0x88: {  	[tilespmem:v12+s30+$0x0] =	vst.idx.add.s32.msk $0xffff, v11  }
0x89: {  	_ =	swait.ge [sflag:s31], $0x4000  }
0x8a: {  	[sflag:s31] =	ssyncset.done $0x0  }
0x8b: {  	s18 =	sadd.s32 $0x12480, s6;
	[sflag:s31] =	ssyncadd.s32 $0xFFFFC000  }
0x8c: {  	[spmem:s1] =	stream.indirect.scatter.add.f32 [tilespmem:s24], [sflag:$0x6], $0x80, s18, s28, $0xb8;
	[tilespmem:$0x1D480] =	vst v63  }
0x8d: {  	v62 =	vld.idx.msk [tilespmem:v0+s6+$0xFFFFFF10 ss:$0x1], $0xffff;
	_ =	sdelay $0x4  }
0x8e: {  	v12 =	vshll.u32 v62, $0x4;
	_ =	sdelay $0x4  }
0x8f: {  	[tilespmem:v12+s30+$0x0] =	vst.idx.add.s32.msk $0xffff, v11  }
0x90: {  	v12 =	vld.idx.msk [tilespmem:v0+s6+$0xFFFFFF20 ss:$0x1], $0xffff;
	_ =	sdelay $0x4  }
0x91: {  	v12 =	vshll.u32 v12, $0x4;
	_ =	sdelay $0x4  }
0x92: {  	[tilespmem:v12+s30+$0x0] =	vst.idx.add.s32.msk $0xffff, v11  }
0x93: {  	v12 =	vld.idx.msk [tilespmem:v0+s6+$0xFFFFFF30 ss:$0x1], $0xffff;
	_ =	sdelay $0x4  }
0x94: {  	v12 =	vshll.u32 v12, $0x4;
	_ =	sdelay $0x4  }
0x95: {  	[tilespmem:v12+s30+$0x0] =	vst.idx.add.s32.msk $0xffff, v11  }
0x96: {  	v12 =	vld.idx.msk [tilespmem:v0+s6+$0xFFFFFF40 ss:$0x1], $0xffff;
	_ =	sdelay $0x4  }
0x97: {  	v12 =	vshll.u32 v12, $0x4;
	_ =	sdelay $0x4  }
0x98: {  	[tilespmem:v12+s30+$0x0] =	vst.idx.add.s32.msk $0xffff, v11  }
0x99: {  	v12 =	vld.idx.msk [tilespmem:v0+s6+$0xFFFFFF50 ss:$0x1], $0xffff;
	_ =	sdelay $0x4  }
0x9a: {  	v12 =	vshll.u32 v12, $0x4;
	_ =	sdelay $0x4  }
0x9b: {  	[tilespmem:v12+s30+$0x0] =	vst.idx.add.s32.msk $0xffff, v11  }
0x9c: {  	v12 =	vld.idx.msk [tilespmem:v0+s6+$0xFFFFFF60 ss:$0x1], $0xffff;
	_ =	sdelay $0x4  }
0x9d: {  	v12 =	vshll.u32 v12, $0x4;
	_ =	sdelay $0x4  }
0x9e: {  	[tilespmem:v12+s30+$0x0] =	vst.idx.add.s32.msk $0xffff, v11  }
0x9f: {  	v12 =	vld.idx.msk [tilespmem:v0+s6+$0xFFFFFF70 ss:$0x1], $0xffff;
	_ =	sdelay $0x4  }
0xa0: {  	v12 =	vshll.u32 v12, $0x4;
	_ =	sdelay $0x4  }
0xa1: {  	[tilespmem:v12+s30+$0x0] =	vst.idx.add.s32.msk $0xffff, v11  }
0xa2: {  	v12 =	vld.idx.msk [tilespmem:v0+s6+$0xFFFFFF80 ss:$0x1], $0xffff;
	_ =	sdelay $0x4  }
0xa3: {  	v12 =	vshll.u32 v12, $0x4;
	_ =	sdelay $0x4  }
0xa4: {  	[tilespmem:v12+s30+$0x0] =	vst.idx.add.s32.msk $0xffff, v11  }
0xa5: {  	_ =	swait.ge [sflag:s0], $0x4000  }
0xa6: {  	[sflag:s0] =	ssyncset.done $0x0  }
0xa7: {  	s18 =	sadd.s32 $0x12500, s6;
	[sflag:s0] =	ssyncadd.s32 $0xFFFFC000  }
0xa8: {  	[spmem:s1] =	stream.indirect.scatter.add.f32 [tilespmem:s25], [sflag:$0x7], $0x80, s18, s28, $0xb8;
	[tilespmem:$0x1D480] =	vst v63  }
0xa9: {  	v63 =	vld.idx.msk [tilespmem:v0+s6+$0xFFFFFF90 ss:$0x1], $0xffff;
	_ =	sdelay $0x4  }
0xaa: {  	v12 =	vshll.u32 v63, $0x4;
	_ =	sdelay $0x4  }
0xab: {  	[tilespmem:v12+s30+$0x0] =	vst.idx.add.s32.msk $0xffff, v11  }
0xac: {  	v12 =	vld.idx.msk [tilespmem:v0+s6+$0xFFFFFFA0 ss:$0x1], $0xffff;
	_ =	sdelay $0x4  }
0xad: {  	v12 =	vshll.u32 v12, $0x4;
	_ =	sdelay $0x4  }
0xae: {  	[tilespmem:v12+s30+$0x0] =	vst.idx.add.s32.msk $0xffff, v11  }
0xaf: {  	v12 =	vld.idx.msk [tilespmem:v0+s6+$0xFFFFFFB0 ss:$0x1], $0xffff;
	_ =	sdelay $0x4  }
0xb0: {  	v12 =	vshll.u32 v12, $0x4;
	_ =	sdelay $0x4  }
0xb1: {  	[tilespmem:v12+s30+$0x0] =	vst.idx.add.s32.msk $0xffff, v11  }
0xb2: {  	v12 =	vld.idx.msk [tilespmem:v0+s6+$0xFFFFFFC0 ss:$0x1], $0xffff;
	_ =	sdelay $0x4  }
0xb3: {  	v12 =	vshll.u32 v12, $0x4;
	_ =	sdelay $0x4  }
0xb4: {  	[tilespmem:v12+s30+$0x0] =	vst.idx.add.s32.msk $0xffff, v11  }
0xb5: {  	v12 =	vld.idx.msk [tilespmem:v0+s6+$0xFFFFFFD0 ss:$0x1], $0xffff;
	_ =	sdelay $0x4  }
0xb6: {  	v12 =	vshll.u32 v12, $0x4;
	_ =	sdelay $0x4  }
0xb7: {  	[tilespmem:v12+s30+$0x0] =	vst.idx.add.s32.msk $0xffff, v11  }
0xb8: {  	v12 =	vld.idx.msk [tilespmem:v0+s6+$0xFFFFFFE0 ss:$0x1], $0xffff;
	_ =	sdelay $0x4  }
0xb9: {  	v12 =	vshll.u32 v12, $0x4;
	_ =	sdelay $0x4  }
0xba: {  	[tilespmem:v12+s30+$0x0] =	vst.idx.add.s32.msk $0xffff, v11  }
0xbb: {  	v12 =	vld.idx.msk [tilespmem:v0+s6+$0xFFFFFFF0 ss:$0x1], $0xffff;
	_ =	sdelay $0x4  }
0xbc: {  	v12 =	vshll.u32 v12, $0x4;
	_ =	sdelay $0x4  }
0xbd: {  	[tilespmem:v12+s30+$0x0] =	vst.idx.add.s32.msk $0xffff, v11  }
0xbe: {  	v12 =	vld.idx.msk [tilespmem:v0+s6+$0x0 ss:$0x1], $0xffff;
	_ =	sdelay $0x4  }
0xbf: {  	v12 =	vshll.u32 v12, $0x4;
	_ =	sdelay $0x4  }
0xc0: {  	[tilespmem:v12+s30+$0x0] =	vst.idx.add.s32.msk $0xffff, v11  }
0xc1: {  	_ =	swait.ge [sflag:s3], $0x4000  }
0xc2: {  	[sflag:s3] =	ssyncset.done $0x0  }
0xc3: {  	s6 =	sadd.s32 $0x12580, s6;
	[sflag:s3] =	ssyncadd.s32 $0xFFFFC000  }
0xc4: {  	[spmem:s1] =	stream.indirect.scatter.add.f32 [tilespmem:s26], [sflag:$0x8], $0x80, s6, s28, $0xb8;
	[tilespmem:$0x1D480] =	vst v63  }
0xc5: {  	_ =	swait.ge [sflag:s8], $0x4000  }
0xc6: {  	[sflag:s8] =	ssyncset.done $0x0  }
0xc7: {  	[sflag:s8] =	ssyncadd.s32 $0xFFFFC000  }
0xc8: {  	[tilespmem:s23], [sflag:$0x1] =	stream.linear.gather [hbm4b:s21+s4], $0x4000, $0x38;
	[tilespmem:$0x1D480] =	vst v63  }
0xc9: {  	_ =	swait.ge [sflag:s9], $0x4000  }
0xca: {  	[sflag:s9] =	ssyncset.done $0x0  }
0xcb: {  	s18 =	sadd.s32 $0xFFFFF000, s19;
	[sflag:s9] =	ssyncadd.s32 $0xFFFFC000  }
0xcc: {  	[tilespmem:s24], [sflag:$0x2] =	stream.linear.gather [hbm4b:s18+s4], $0x4000, $0x38;
	[tilespmem:$0x1D480] =	vst v63  }
0xcd: {  	_ =	swait.ge [sflag:s5], $0x4000  }
0xce: {  	[sflag:s5] =	ssyncset.done $0x0  }
0xcf: {  	p0 =	sne.s32 s14, $0x8000;
	[sflag:s5] =	ssyncadd.s32 $0xFFFFC000  }
0xd0: {  	[tilespmem:s25], [sflag:$0x3] =	stream.linear.gather [hbm4b:s20+s4], $0x4000, $0x38;
	[tilespmem:$0x1D480] =	vst v63  }
.Ltmp2:
0xd1: {  	_ =	swait.ge [sflag:s10], $0x4000;
	(pc) =	sbr.rel @p0 .LBB2_6-.Ltmp2, $4  }
0xd2: {  	[sflag:s10] =	ssyncset.done $0x0  }
0xd3: {  	s14 =	sadd.s32 $0x800, s14;
	[sflag:s10] =	ssyncadd.s32 $0xFFFFC000  }
0xd4: {  	[tilespmem:s26], [sflag:$0x4] =	stream.linear.gather [hbm4b:s19+s4], $0x4000, $0x38;
	[tilespmem:$0x1D480] =	vst v63  }
0xd5: {  	s21 =	sadd.s32 $0x2000, s21;
	s20 =	sadd.s32 $0x2000, s20;
	s19 =	sadd.s32 $0x2000, s19  }
0xd6: {  	v12 =	vld [tilespmem:s15+$0x16A00];
	_ =	sdelay $0x4  }
0xd7: {  	v12 =	vshll.u32 v12, $0x4;
	_ =	sdelay $0x4  }
0xd8: {  	[tilespmem:v12+s30+$0x0] =	vst.idx.add.s32.msk $0xffff, v11  }
0xd9: {  	v12 =	vld [tilespmem:s15+$0x16A10];
	_ =	sdelay $0x4  }
0xda: {  	v12 =	vshll.u32 v12, $0x4;
	_ =	sdelay $0x4  }
0xdb: {  	[tilespmem:v12+s30+$0x0] =	vst.idx.add.s32.msk $0xffff, v11  }
0xdc: {  	v12 =	vld [tilespmem:s15+$0x16A20];
	_ =	sdelay $0x4  }
0xdd: {  	v12 =	vshll.u32 v12, $0x4;
	_ =	sdelay $0x4  }
0xde: {  	[tilespmem:v12+s30+$0x0] =	vst.idx.add.s32.msk $0xffff, v11  }
0xdf: {  	v12 =	vld [tilespmem:s15+$0x16A30];
	_ =	sdelay $0x4  }
0xe0: {  	v12 =	vshll.u32 v12, $0x4;
	_ =	sdelay $0x4  }
0xe1: {  	[tilespmem:v12+s30+$0x0] =	vst.idx.add.s32.msk $0xffff, v11  }
0xe2: {  	v12 =	vld [tilespmem:s15+$0x16A40];
	_ =	sdelay $0x4  }
0xe3: {  	v12 =	vshll.u32 v12, $0x4;
	_ =	sdelay $0x4  }
0xe4: {  	[tilespmem:v12+s30+$0x0] =	vst.idx.add.s32.msk $0xffff, v11  }
0xe5: {  	v12 =	vld [tilespmem:s15+$0x16A50];
	_ =	sdelay $0x4  }
0xe6: {  	v12 =	vshll.u32 v12, $0x4;
	_ =	sdelay $0x4  }
0xe7: {  	[tilespmem:v12+s30+$0x0] =	vst.idx.add.s32.msk $0xffff, v11  }
0xe8: {  	v12 =	vld [tilespmem:s15+$0x16A60];
	_ =	sdelay $0x4  }
0xe9: {  	v12 =	vshll.u32 v12, $0x4;
	_ =	sdelay $0x4  }
0xea: {  	[tilespmem:v12+s30+$0x0] =	vst.idx.add.s32.msk $0xffff, v11  }
0xeb: {  	v12 =	vld [tilespmem:s15+$0x16A70];
	_ =	sdelay $0x4  }
0xec: {  	v12 =	vshll.u32 v12, $0x4;
	_ =	sdelay $0x4  }
0xed: {  	[tilespmem:v12+s30+$0x0] =	vst.idx.add.s32.msk $0xffff, v11  }
0xee: {  	_ =	swait.ge [sflag:s2], $0x4000  }
0xef: {  	[sflag:s2] =	ssyncset.done $0x0  }
0xf0: {  	s6 =	simm.s32 $0x14600;
	[sflag:s2] =	ssyncadd.s32 $0xFFFFC000  }
0xf1: {  	[spmem:s1] =	stream.indirect.scatter.add.f32 [tilespmem:s23], [sflag:$0x5], $0x80, s6, s28, $0xb8;
	[tilespmem:$0x1D480] =	vst v63  }
0xf2: {  	v61 =	vld [tilespmem:s15+$0x16A80];
	_ =	sdelay $0x4  }
0xf3: {  	v12 =	vshll.u32 v61, $0x4;
	_ =	sdelay $0x4  }
0xf4: {  	[tilespmem:v12+s30+$0x0] =	vst.idx.add.s32.msk $0xffff, v11  }
0xf5: {  	v12 =	vld [tilespmem:s15+$0x16A90];
	_ =	sdelay $0x4  }
0xf6: {  	v12 =	vshll.u32 v12, $0x4;
	_ =	sdelay $0x4  }
0xf7: {  	[tilespmem:v12+s30+$0x0] =	vst.idx.add.s32.msk $0xffff, v11  }
0xf8: {  	v12 =	vld [tilespmem:s15+$0x16AA0];
	_ =	sdelay $0x4  }
0xf9: {  	v12 =	vshll.u32 v12, $0x4;
	_ =	sdelay $0x4  }
0xfa: {  	[tilespmem:v12+s30+$0x0] =	vst.idx.add.s32.msk $0xffff, v11  }
0xfb: {  	v12 =	vld [tilespmem:s15+$0x16AB0];
	_ =	sdelay $0x4  }
0xfc: {  	v12 =	vshll.u32 v12, $0x4;
	_ =	sdelay $0x4  }
0xfd: {  	[tilespmem:v12+s30+$0x0] =	vst.idx.add.s32.msk $0xffff, v11  }
0xfe: {  	v12 =	vld [tilespmem:s15+$0x16AC0];
	_ =	sdelay $0x4  }
0xff: {  	v12 =	vshll.u32 v12, $0x4;
	_ =	sdelay $0x4  }
0x100: {  	[tilespmem:v12+s30+$0x0] =	vst.idx.add.s32.msk $0xffff, v11  }
0x101: {  	v12 =	vld [tilespmem:s15+$0x16AD0];
	_ =	sdelay $0x4  }
0x102: {  	v12 =	vshll.u32 v12, $0x4;
	_ =	sdelay $0x4  }
0x103: {  	[tilespmem:v12+s30+$0x0] =	vst.idx.add.s32.msk $0xffff, v11  }
0x104: {  	v12 =	vld [tilespmem:s15+$0x16AE0];
	_ =	sdelay $0x4  }
0x105: {  	v12 =	vshll.u32 v12, $0x4;
	_ =	sdelay $0x4  }
0x106: {  	[tilespmem:v12+s30+$0x0] =	vst.idx.add.s32.msk $0xffff, v11  }
0x107: {  	v12 =	vld [tilespmem:s15+$0x16AF0];
	_ =	sdelay $0x4  }
0x108: {  	v12 =	vshll.u32 v12, $0x4;
	_ =	sdelay $0x4  }
0x109: {  	[tilespmem:v12+s30+$0x0] =	vst.idx.add.s32.msk $0xffff, v11  }
0x10a: {  	_ =	swait.ge [sflag:s31], $0x4000  }
0x10b: {  	[sflag:s31] =	ssyncset.done $0x0  }
0x10c: {  	s19 =	simm.s32 $0x14680;
	[sflag:s31] =	ssyncadd.s32 $0xFFFFC000  }
0x10d: {  	[spmem:s1] =	stream.indirect.scatter.add.f32 [tilespmem:s24], [sflag:$0x6], $0x80, s19, s28, $0xb8;
	[tilespmem:$0x1D480] =	vst v63  }
0x10e: {  	v62 =	vld [tilespmem:s15+$0x16B00];
	_ =	sdelay $0x4  }
0x10f: {  	v12 =	vshll.u32 v62, $0x4;
	_ =	sdelay $0x4  }
0x110: {  	[tilespmem:v12+s30+$0x0] =	vst.idx.add.s32.msk $0xffff, v11  }
0x111: {  	v12 =	vld [tilespmem:s15+$0x16B10];
	_ =	sdelay $0x4  }
0x112: {  	v12 =	vshll.u32 v12, $0x4;
	_ =	sdelay $0x4  }
0x113: {  	[tilespmem:v12+s30+$0x0] =	vst.idx.add.s32.msk $0xffff, v11  }
0x114: {  	v12 =	vld [tilespmem:s15+$0x16B20];
	_ =	sdelay $0x4  }
0x115: {  	v12 =	vshll.u32 v12, $0x4;
	_ =	sdelay $0x4  }
0x116: {  	[tilespmem:v12+s30+$0x0] =	vst.idx.add.s32.msk $0xffff, v11  }
0x117: {  	v12 =	vld [tilespmem:s15+$0x16B30];
	_ =	sdelay $0x4  }
0x118: {  	v12 =	vshll.u32 v12, $0x4;
	_ =	sdelay $0x4  }
0x119: {  	[tilespmem:v12+s30+$0x0] =	vst.idx.add.s32.msk $0xffff, v11  }
0x11a: {  	v12 =	vld [tilespmem:s15+$0x16B40];
	_ =	sdelay $0x4  }
0x11b: {  	v12 =	vshll.u32 v12, $0x4;
	_ =	sdelay $0x4  }
0x11c: {  	[tilespmem:v12+s30+$0x0] =	vst.idx.add.s32.msk $0xffff, v11  }
0x11d: {  	v12 =	vld [tilespmem:s15+$0x16B50];
	_ =	sdelay $0x4  }
0x11e: {  	v12 =	vshll.u32 v12, $0x4;
	_ =	sdelay $0x4  }
0x11f: {  	[tilespmem:v12+s30+$0x0] =	vst.idx.add.s32.msk $0xffff, v11  }
0x120: {  	v12 =	vld [tilespmem:s15+$0x16B60];
	_ =	sdelay $0x4  }
0x121: {  	v12 =	vshll.u32 v12, $0x4;
	_ =	sdelay $0x4  }
0x122: {  	[tilespmem:v12+s30+$0x0] =	vst.idx.add.s32.msk $0xffff, v11  }
0x123: {  	v12 =	vld [tilespmem:s15+$0x16B70];
	_ =	sdelay $0x4  }
0x124: {  	v12 =	vshll.u32 v12, $0x4;
	_ =	sdelay $0x4  }
0x125: {  	[tilespmem:v12+s30+$0x0] =	vst.idx.add.s32.msk $0xffff, v11  }
0x126: {  	_ =	swait.ge [sflag:s0], $0x4000  }
0x127: {  	[sflag:s0] =	ssyncset.done $0x0  }
0x128: {  	s20 =	simm.s32 $0x14700;
	[sflag:s0] =	ssyncadd.s32 $0xFFFFC000  }
0x129: {  	[spmem:s1] =	stream.indirect.scatter.add.f32 [tilespmem:s25], [sflag:$0x7], $0x80, s20, s28, $0xb8;
	[tilespmem:$0x1D480] =	vst v63  }
0x12a: {  	v63 =	vld [tilespmem:s15+$0x16B80];
	_ =	sdelay $0x4  }
0x12b: {  	v12 =	vshll.u32 v63, $0x4;
	_ =	sdelay $0x4  }
0x12c: {  	[tilespmem:v12+s30+$0x0] =	vst.idx.add.s32.msk $0xffff, v11  }
0x12d: {  	v12 =	vld [tilespmem:s15+$0x16B90];
	_ =	sdelay $0x4  }
0x12e: {  	v12 =	vshll.u32 v12, $0x4;
	_ =	sdelay $0x4  }
0x12f: {  	[tilespmem:v12+s30+$0x0] =	vst.idx.add.s32.msk $0xffff, v11  }
0x130: {  	v12 =	vld [tilespmem:s15+$0x16BA0];
	_ =	sdelay $0x4  }
0x131: {  	v12 =	vshll.u32 v12, $0x4;
	_ =	sdelay $0x4  }
0x132: {  	[tilespmem:v12+s30+$0x0] =	vst.idx.add.s32.msk $0xffff, v11  }
0x133: {  	v12 =	vld [tilespmem:s15+$0x16BB0];
	_ =	sdelay $0x4  }
0x134: {  	v12 =	vshll.u32 v12, $0x4;
	_ =	sdelay $0x4  }
0x135: {  	[tilespmem:v12+s30+$0x0] =	vst.idx.add.s32.msk $0xffff, v11  }
0x136: {  	v12 =	vld [tilespmem:s15+$0x16BC0];
	_ =	sdelay $0x4  }
0x137: {  	v12 =	vshll.u32 v12, $0x4;
	_ =	sdelay $0x4  }
0x138: {  	[tilespmem:v12+s30+$0x0] =	vst.idx.add.s32.msk $0xffff, v11  }
0x139: {  	v12 =	vld [tilespmem:s15+$0x16BD0];
	_ =	sdelay $0x4  }
0x13a: {  	v12 =	vshll.u32 v12, $0x4;
	_ =	sdelay $0x4  }
0x13b: {  	[tilespmem:v12+s30+$0x0] =	vst.idx.add.s32.msk $0xffff, v11  }
0x13c: {  	v12 =	vld [tilespmem:s15+$0x16BE0];
	_ =	sdelay $0x4  }
0x13d: {  	v12 =	vshll.u32 v12, $0x4;
	_ =	sdelay $0x4  }
0x13e: {  	[tilespmem:v12+s30+$0x0] =	vst.idx.add.s32.msk $0xffff, v11  }
0x13f: {  	v12 =	vld [tilespmem:s15+$0x16BF0];
	_ =	sdelay $0x4  }
0x140: {  	v12 =	vshll.u32 v12, $0x4;
	_ =	sdelay $0x4  }
0x141: {  	[tilespmem:v12+s30+$0x0] =	vst.idx.add.s32.msk $0xffff, v11  }
0x142: {  	_ =	swait.ge [sflag:s3], $0x4000  }
0x143: {  	[sflag:s3] =	ssyncset.done $0x0  }
0x144: {  	s21 =	simm.s32 $0x14780;
	[sflag:s3] =	ssyncadd.s32 $0xFFFFC000  }
0x145: {  	[spmem:s1] =	stream.indirect.scatter.add.f32 [tilespmem:s26], [sflag:$0x8], $0x80, s21, s28, $0xb8;
	[tilespmem:$0x1D480] =	vst v63  }
0x146: {  	_ =	swait.ge [sflag:s8], $0x4000  }
0x147: {  	[sflag:s8] =	ssyncset.done $0x0  }
0x148: {  	[sflag:s8] =	ssyncadd.s32 $0xFFFFC000  }
0x149: {  	_ =	swait.ge [sflag:s9], $0x4000  }
0x14a: {  	[sflag:s9] =	ssyncset.done $0x0  }
0x14b: {  	[sflag:s9] =	ssyncadd.s32 $0xFFFFC000  }
0x14c: {  	_ =	swait.ge [sflag:s5], $0x4000  }
0x14d: {  	[sflag:s5] =	ssyncset.done $0x0  }
0x14e: {  	[sflag:s5] =	ssyncadd.s32 $0xFFFFC000  }
0x14f: {  	_ =	swait.ge [sflag:s10], $0x4000  }
0x150: {  	[sflag:s10] =	ssyncset.done $0x0  }
0x151: {  	s6 =	smov.u32 s22;
	s14 =	rddreg [dreg:$0x6];
	[sflag:s10] =	ssyncadd.s32 $0xFFFFC000  }
.LBB2_8:
0x152: {  	v12 =	vld [tilespmem:s6+$0xFFFFFF90];
	_ =	sdelay $0x4  }
0x153: {  	v12 =	vshll.u32 v12, $0x4;
	_ =	sdelay $0x4  }
0x154: {  	[tilespmem:v12+s30+$0x0] =	vst.idx.add.s32.msk $0xffff, v11  }
0x155: {  	v12 =	vld [tilespmem:s6+$0xFFFFFFA0];
	_ =	sdelay $0x4  }
0x156: {  	v12 =	vshll.u32 v12, $0x4;
	_ =	sdelay $0x4  }
0x157: {  	[tilespmem:v12+s30+$0x0] =	vst.idx.add.s32.msk $0xffff, v11  }
0x158: {  	v12 =	vld [tilespmem:s6+$0xFFFFFFB0];
	_ =	sdelay $0x4  }
0x159: {  	v12 =	vshll.u32 v12, $0x4;
	_ =	sdelay $0x4  }
0x15a: {  	[tilespmem:v12+s30+$0x0] =	vst.idx.add.s32.msk $0xffff, v11  }
0x15b: {  	v12 =	vld [tilespmem:s6+$0xFFFFFFC0];
	_ =	sdelay $0x4  }
0x15c: {  	v12 =	vshll.u32 v12, $0x4;
	_ =	sdelay $0x4  }
0x15d: {  	[tilespmem:v12+s30+$0x0] =	vst.idx.add.s32.msk $0xffff, v11  }
0x15e: {  	v12 =	vld [tilespmem:s6+$0xFFFFFFD0];
	_ =	sdelay $0x4  }
0x15f: {  	v12 =	vshll.u32 v12, $0x4;
	_ =	sdelay $0x4  }
0x160: {  	[tilespmem:v12+s30+$0x0] =	vst.idx.add.s32.msk $0xffff, v11  }
0x161: {  	v12 =	vld [tilespmem:s6+$0xFFFFFFE0];
	_ =	sdelay $0x4  }
0x162: {  	v12 =	vshll.u32 v12, $0x4;
	_ =	sdelay $0x4  }
0x163: {  	[tilespmem:v12+s30+$0x0] =	vst.idx.add.s32.msk $0xffff, v11  }
0x164: {  	v12 =	vld [tilespmem:s6+$0xFFFFFFF0];
	_ =	sdelay $0x4  }
0x165: {  	v12 =	vshll.u32 v12, $0x4;
	_ =	sdelay $0x4  }
0x166: {  	[tilespmem:v12+s30+$0x0] =	vst.idx.add.s32.msk $0xffff, v11  }
0x167: {  	v12 =	vld [tilespmem:s6+$0x0];
	_ =	sdelay $0x4  }
0x168: {  	p0 =	sne.s32 s14, $0x1;
	v12 =	vshll.u32 v12, $0x4  }
.Ltmp3:
0x169: {  	_ = 	snop;
	(pc) =	sbr.rel @p0 .LBB2_8-.Ltmp3, $2  }
0x16a: {  	_ =	sdelay $0x2  }
0x16b: {  	s14 =	sadd.s32 $0xFFFFFFFF, s14;
	s6 =	sadd.s32 $0x80, s6;
	[tilespmem:v12+s30+$0x0] =	vst.idx.add.s32.msk $0xffff, v11  }
0x16c: {  	s6 =	rddreg [dreg:$0x4];
	s14 =	simm.s32 $0x1B400  }
0x16d: {  	[spmem:s6] =	stream.indirect.scatter.add.s32 [tilespmem:s30], [sflag:$0x9], $0x80, s14, s28, $0xb8;
	[tilespmem:$0x1D480] =	vst v63  }
0x16e: {  	_ =	swait.ge [sflag:s29], $0x4000  }
0x16f: {  	[sflag:s29] =	ssyncset.done $0x0  }
0x170: {  	s20 =	stileid.u32;
	[sflag:s29] =	ssyncadd.s32 $0xFFFFC000  }
0x171: {  	s6 =	sshll.u32 s20, $0x6;
	[bflag:$0x0] =	sbarrier.arrive $0xFFFF  }
0x172: {  	s21 =	sshrl.u32 s11, $0x3;
	s6 =	sor.u32 $0x1C09, s6;
	s18 =	rddreg [dreg:$0xc]  }
0x173: {  	[hbm:s18], [sflag:s6] =	dma.local [spmem:s21], $0x400  }
0x174: {  	_ =	swait.ge [sflag:s29], $0x400  }
0x175: {  	[sflag:s29] =	ssyncset.done $0x0  }
0x176: {  	s19 =	sshrl.u32 s12, $0x3;
	s20 =	rddreg [dreg:$0xd];
	[sflag:s29] =	ssyncadd.s32 $0xFFFFFC00  }
0x177: {  	[hbm:s20], [sflag:s6] =	dma.local [spmem:s19], $0x80  }
0x178: {  	_ =	swait.ge [sflag:s29], $0x80  }
0x179: {  	s13 =	sadd.s32 $0x1, s13;
	s21 =	rddreg [dreg:$0xe]  }
0x17a: {  	p0 =	sne.s32 s13, s21  }
.Ltmp4:
0x17b: {  	_ = 	snop;
	(pc) =	sbr.rel @p0 .LBB2_1-.Ltmp4, $3  }
0x17c: {  	_ =	sdelay $0x1  }
0x17d: {  	[sflag:s29] =	ssyncset.done $0x0  }
0x17e: {  	[sflag:s29] =	ssyncadd.s32 $0xFFFFFF80  }
0x17f: {  	_ =	sfence.sel $0x180000  }
0x180: {  	[bflag:$0x0] =	sbarrier.arrive $0xFFFF  }
0x181: {  	_ =	strace $0x90000047  }
0x182: {  	s0 =	stileid.u32;
	[bflag:$0x2] =	sbarrier.arrive $0xFFFF  }
0x183: {  	p0 =	sne.s32 s0, $0x0;
	s0 =	rddreg [dreg:$0x5]  }
0x184: {  	s0 =	sadd.s32 @!p0 $0x100000, s0  }
0x185: {  	[sflag:s0] =	ssyncadd.tile.s32 @!p0 $0x1;
	_ =	shalt  }
.Lfunc_end2:
_tile_overlayer_lowered:
.L_overlay_start_2:
0x186: {  	(tag) =	ssettag $0x2  }
0x187: {  	s0 =	rddreg [dreg:$0x0];
	s2 =	stileid.u32  }
0x188: {  	s1 =	rddreg [dreg:$0x1];
	p0 =	sne.s32 s2, $0x0  }
0x189: {  	s3 =	rddreg [dreg:$0x2];
	[bflag:$0x3] =	sbarrier.arrive $0xFFFF;
	s2 =	simm.s32 @!p0 $0x1C09  }
0x18a: {  	[timem:s3], [sflag:s2] =	dma.local @!p0 [hbm:s0], s1  }
0x18b: {  	s0 =	simm.s32 @!p0 $0x9  }
0x18c: {  	_ =	swait.ge @!p0 [sflag:s0], s1  }
0x18d: {  	s1 =	ssub.s32 @!p0 $0x0, s1;
	[sflag:s0] =	ssyncset.done @!p0 $0x0  }
0x18e: {  	[sflag:s0] =	ssyncadd.s32 @!p0 s1  }
0x18f: {  	[bflag:$0x3] =	sbarrier.arrive $0xFFFF  }
0x190: {  	_ =	shalt  }

</sc_bundles>
